<compile_context>
chip_gen: v7x
topology: tpu7x:2x2x1
jax: 0.10.2.dev20260603
libtpu: 0.0.44.dev20260713+nightly
codegen_flags: <defaults>
</compile_context>

<pallas_src>
import jax
import jax.numpy as jnp
from jax import lax
from jax.experimental import pallas as pl
from jax.experimental.pallas import tpu as pltpu
from jax.experimental.pallas import tpu_sc as plsc

N = 10000
E = 320000
D_IN = 128
D_OUT = 40

NC = 2
NS = 16
NW = NC * NS
L = 16

CH = 256
NCH = E // CH
PRE_D = NCH // NS + 1
CHA = 128
BLK = 20
EPB = BLK * CHA
NBLK = E // EPB
N_PAD = 10240
ROWS_PER_TILE = N_PAD // NS
ZR = 128

_MESH = plsc.VectorSubcoreMesh(
    core_axis_name="c", subcore_axis_name="s", num_cores=NC, num_subcores=NS
)


def _deg_body(edge_hbm, deg_hbm, idx_v, ones_v, zbuf_v, dacc, sem):
    cid = lax.axis_index("c")
    tid = lax.axis_index("s")
    s_ch = (tid * NCH) // NS
    cnt = ((tid + 1) * NCH) // NS - s_ch

    pltpu.async_copy(edge_hbm.at[cid, 0, pl.ds(s_ch * CH, PRE_D * CH)], idx_v, sem)

    def ones_loop(i, carry):
        ones_v[pl.ds(i * L, L)] = jnp.ones((L,), jnp.float32)
        return carry

    lax.fori_loop(0, CH // L, ones_loop, 0)

    def init_loop(i, carry):
        zbuf_v[pl.ds(i * L, L)] = jnp.zeros((L,), jnp.float32)
        return carry

    lax.fori_loop(0, ROWS_PER_TILE // L, init_loop, 0)

    pltpu.sync_copy(zbuf_v, dacc.at[pl.ds(tid * ROWS_PER_TILE, ROWS_PER_TILE)])
    pltpu.make_async_copy(
        edge_hbm.at[cid, 0, pl.ds(s_ch * CH, PRE_D * CH)], idx_v, sem
    ).wait()
    plsc.subcore_barrier()

    def body(j, carry):
        pltpu.sync_copy(ones_v, dacc.at[idx_v.at[pl.ds(j * CH, CH)]], add=True)
        return carry

    lax.fori_loop(0, cnt, body, 0)
    plsc.subcore_barrier()

    s = tid * ROWS_PER_TILE
    pltpu.sync_copy(
        dacc.at[pl.ds(s, ROWS_PER_TILE)],
        deg_hbm.at[cid, pl.ds(s, ROWS_PER_TILE)],
    )


_deg = pl.kernel(
    _deg_body,
    out_type=jax.ShapeDtypeStruct((NC, N_PAD), jnp.float32),
    mesh=_MESH,
    scratch_types=[
        pltpu.VMEM((PRE_D * CH,), jnp.int32),
        pltpu.VMEM((CH,), jnp.float32),
        pltpu.VMEM((ROWS_PER_TILE,), jnp.float32),
        pltpu.VMEM_SHARED((N_PAD,), jnp.float32),
        pltpu.SemaphoreType.DMA,
    ],
)


def _agg_body(h_hbm, edge_hbm, accp_hbm, sidx_v, didx_v, r0, r1, acc, s0, s1):
    cid = lax.axis_index("c")
    tid = lax.axis_index("s")
    wid = cid * NS + tid
    s_blk = (wid * NBLK) // NW
    nblk = ((wid + 1) * NBLK) // NW - s_blk

    def zloop(i, carry):
        r0[i // (D_IN // L), pl.ds((i % (D_IN // L)) * L, L)] = jnp.zeros(
            (L,), jnp.float32
        )
        return carry

    lax.fori_loop(0, ZR * (D_IN // L), zloop, 0)

    def zcopy(k, carry):
        pltpu.sync_copy(r0, acc.at[pl.ds(tid * ROWS_PER_TILE + k * ZR, ZR)])
        return carry

    lax.fori_loop(0, ROWS_PER_TILE // ZR, zcopy, 0)
    plsc.subcore_barrier()

    def block(ib, carry):
        gb = s_blk + ib
        pltpu.sync_copy(edge_hbm.at[0, 0, pl.ds(gb * EPB, EPB)], sidx_v)
        pltpu.sync_copy(edge_hbm.at[1, 0, pl.ds(gb * EPB, EPB)], didx_v)
        pltpu.async_copy(h_hbm.at[sidx_v.at[pl.ds(0, CHA)]], r0, s0)

        def pair(k, carry2):
            c = 2 * k
            pltpu.async_copy(h_hbm.at[sidx_v.at[pl.ds((c + 1) * CHA, CHA)]], r1, s1)
            pltpu.make_async_copy(h_hbm.at[sidx_v.at[pl.ds(0, CHA)]], r0, s0).wait()
            pltpu.sync_copy(r0, acc.at[didx_v.at[pl.ds(c * CHA, CHA)]], add=True)

            @pl.when(c + 2 < BLK)
            def _():
                pltpu.async_copy(
                    h_hbm.at[sidx_v.at[pl.ds((c + 2) * CHA, CHA)]], r0, s0
                )

            pltpu.make_async_copy(h_hbm.at[sidx_v.at[pl.ds(0, CHA)]], r1, s1).wait()
            pltpu.sync_copy(r1, acc.at[didx_v.at[pl.ds((c + 1) * CHA, CHA)]], add=True)
            return carry2

        lax.fori_loop(0, BLK // 2, pair, 0)
        return carry

    lax.fori_loop(0, nblk, block, 0)
    plsc.subcore_barrier()

    s = tid * ROWS_PER_TILE
    pltpu.sync_copy(
        acc.at[pl.ds(s, ROWS_PER_TILE)], accp_hbm.at[cid, pl.ds(s, ROWS_PER_TILE)]
    )


_agg = pl.kernel(
    _agg_body,
    out_type=jax.ShapeDtypeStruct((NC, N_PAD, D_IN), jnp.float32),
    mesh=_MESH,
    scratch_types=[
        pltpu.VMEM((EPB,), jnp.int32),
        pltpu.VMEM((EPB,), jnp.int32),
        pltpu.VMEM((ZR, D_IN), jnp.float32),
        pltpu.VMEM((ZR, D_IN), jnp.float32),
        pltpu.VMEM_SHARED((N_PAD, D_IN), jnp.float32),
        pltpu.SemaphoreType.DMA,
        pltpu.SemaphoreType.DMA,
    ],
)


ROW_BLK = 1000


def _scale_body(x_ref, d_ref, o_ref):
    o_ref[...] = x_ref[...] * lax.rsqrt(jnp.maximum(d_ref[...], 1.0))


_scale = pl.pallas_call(
    _scale_body,
    out_shape=jax.ShapeDtypeStruct((N, D_IN), jnp.float32),
    grid=(N // ROW_BLK,),
    in_specs=[
        pl.BlockSpec((ROW_BLK, D_IN), lambda i: (i, 0)),
        pl.BlockSpec((ROW_BLK, 1), lambda i: (i, 0)),
    ],
    out_specs=pl.BlockSpec((ROW_BLK, D_IN), lambda i: (i, 0)),
)


HEAD_BLK = 1000


def _head_body(a_ref, d_ref, w1_ref, b1_ref, w2_ref, b2_ref, o_ref):
    a = a_ref[0] + a_ref[1]
    a = a * lax.rsqrt(jnp.maximum(d_ref[...], 1.0))
    h2 = jnp.dot(a, w1_ref[...], preferred_element_type=jnp.float32) + b1_ref[...]
    h2 = jnp.maximum(h2, 0.0)
    o_ref[...] = (
        jnp.dot(h2, w2_ref[...], preferred_element_type=jnp.float32) + b2_ref[...]
    )


_head = pl.pallas_call(
    _head_body,
    out_shape=jax.ShapeDtypeStruct((N, D_OUT), jnp.float32),
    grid=(N // HEAD_BLK,),
    in_specs=[
        pl.BlockSpec((NC, HEAD_BLK, D_IN), lambda i: (0, i, 0)),
        pl.BlockSpec((HEAD_BLK, 1), lambda i: (i, 0)),
        pl.BlockSpec((D_IN, D_IN), lambda i: (0, 0)),
        pl.BlockSpec((1, D_IN), lambda i: (0, 0)),
        pl.BlockSpec((D_IN, D_OUT), lambda i: (0, 0)),
        pl.BlockSpec((1, D_OUT), lambda i: (0, 0)),
    ],
    out_specs=pl.BlockSpec((HEAD_BLK, D_OUT), lambda i: (i, 0)),
)


@jax.jit
def kernel(n_feat, edge_index, W_gcn, b_gcn, W_lin, b_lin):
    ei = edge_index.reshape(2, 1, E)
    deg = _deg(ei)
    h = _scale(n_feat, deg[0, :N].reshape(N, 1))
    accp = _agg(h, ei)[:, :N]
    out = _head(
        accp,
        deg[1, :N].reshape(N, 1),
        W_gcn,
        b_gcn.reshape(1, D_IN),
        W_lin,
        b_lin.reshape(1, D_OUT),
    )
    return out

# --- scband reference (transcript-rebuilt; emitter-appended) ---
"""Pipeline reference for scband-gcnmodel-48687749267591 (READ-ONLY COPY).

The authoritative reference and input builder live on the scoring server;
editing this copy changes nothing except your own understanding.
"""

import jax, jax.numpy as jnp
import numpy as np

N = 10000
E = 320000
D_IN = 128
D_HID = 128
D_OUT = 40


def setup_inputs(seed: int = 0) -> dict:
    key = jax.random.key(seed)
    k1, k2, k3, k4, k5, k6 = jax.random.split(key, 6)
    n_feat = jax.random.normal(k1, (N, D_IN), dtype=jnp.float32)
    edge_index = jax.random.randint(k2, (2, E), 0, N, dtype=jnp.int32)
    # GraphConv weight (xavier-like scale) and bias
    W_gcn = jax.random.normal(k3, (D_IN, D_HID), dtype=jnp.float32) * (1.0 / np.sqrt(D_IN))
    b_gcn = jnp.zeros((D_HID,), dtype=jnp.float32)
    # Output linear layer
    W_lin = jax.random.normal(k4, (D_HID, D_OUT), dtype=jnp.float32) * (1.0 / np.sqrt(D_HID))
    b_lin = jax.random.normal(k5, (D_OUT,), dtype=jnp.float32) * 0.01
    return {"n_feat": n_feat, "edge_index": edge_index, "W_gcn": W_gcn,
            "b_gcn": b_gcn, "W_lin": W_lin, "b_lin": b_lin}


def reference(n_feat, edge_index, W_gcn, b_gcn, W_lin, b_lin):
    # DGL GraphConv with norm='both', activation=relu, followed by nn.Linear.
    # Since in_feats == out_feats (not strictly greater), DGL aggregates first,
    # then applies the weight.
    src = edge_index[0]
    dst = edge_index[1]
    n = n_feat.shape[0]
    # degrees from graph structure
    deg_out = jnp.zeros((n,), jnp.float32).at[src].add(1.0)
    deg_in = jnp.zeros((n,), jnp.float32).at[dst].add(1.0)
    norm_src = jax.lax.rsqrt(jnp.clip(deg_out, 1.0, None))
    norm_dst = jax.lax.rsqrt(jnp.clip(deg_in, 1.0, None))
    # H(l+1) = sigma(D^{-1/2} A D^{-1/2} H W)
    h = n_feat * norm_src[:, None]
    msg = jnp.take(h, src, axis=0)                     # gather over edges
    agg = jax.ops.segment_sum(msg, dst, num_segments=n)  # scatter-add to dst nodes
    agg = agg * norm_dst[:, None]
    h2 = jax.nn.relu(agg @ W_gcn + b_gcn)
    out = h2 @ W_lin + b_lin
    return out

if __name__ == "__main__":
    import jax
    _d = setup_inputs()
    print(jax.jit(kernel)(*tuple(_d.values())))

</pallas_src>

<mosaic_0001>
#map = affine_map<(d0, d1) -> (0, 0, 0)>
#map1 = affine_map<(d0, d1) -> (0, 0)>
module attributes {stable_mosaic.version = 14 : i64} {
  func.func @_deg_body(%arg0: i32, %arg1: i32, %arg2: memref<2x1x320000xi32, #tpu.memory_space<hbm>>, %arg3: memref<2x10240xf32, #tpu.memory_space<hbm>>, %arg4: memref<20224xi32, #tpu.memory_space<vmem>>, %arg5: memref<256xf32, #tpu.memory_space<vmem>>, %arg6: memref<640xf32, #tpu.memory_space<vmem>>, %arg7: memref<10240xf32, #tpu.memory_space<vmem_shared>>, %arg8: memref<!tpu.dma_semaphore, #tpu.memory_space<semaphore_mem>>) attributes {dimension_semantics = [#tpu.dimension_semantics<core_parallel>, #tpu.dimension_semantics<subcore_parallel>], iteration_bounds = array<i64: 2, 16>, scalar_prefetch = 0 : i64, scratch_operands = 5 : i64, tpu.core_type = #tpu.core_type<sc_vector_subcore>, window_params = [{transform_indices = #map}, {transform_indices = #map1}]} {
    %mul3A = arith.constant 1250 : i32
    %mul3A_0 = arith.muli %arg1, %mul3A : i32
    %jit3A = arith.constant 16 : i32
    %div3A = arith.divsi %mul3A_0, %jit3A : i32
    %sign3A = arith.constant 0 : i32
    %sign3A_1 = arith.cmpi sgt, %mul3A_0, %sign3A : i32
    %sign3A_2 = arith.extui %sign3A_1 : i1 to i32
    %sign3A_3 = arith.constant 0 : i32
    %sign3A_4 = arith.cmpi slt, %mul3A_0, %sign3A_3 : i32
    %sign3A_5 = arith.extui %sign3A_4 : i1 to i32
    %sign3A_6 = arith.subi %sign3A_2, %sign3A_5 : i32
    %sign3A_7 = arith.constant 0 : i32
    %sign3A_8 = arith.cmpi sgt, %jit3A, %sign3A_7 : i32
    %sign3A_9 = arith.extui %sign3A_8 : i1 to i32
    %sign3A_10 = arith.constant 0 : i32
    %sign3A_11 = arith.cmpi slt, %jit3A, %sign3A_10 : i32
    %sign3A_12 = arith.extui %sign3A_11 : i1 to i32
    %sign3A_13 = arith.subi %sign3A_9, %sign3A_12 : i32
    %ne3A = arith.cmpi ne, %sign3A_6, %sign3A_13 : i32
    %rem3A = arith.remsi %mul3A_0, %jit3A : i32
    %ne3A_14 = arith.constant 0 : i32
    %ne3A_15 = arith.cmpi ne, %rem3A, %ne3A_14 : i32
    %and3A = arith.andi %ne3A, %ne3A_15 : i1
    %sub3A = arith.constant 1 : i32
    %sub3A_16 = arith.subi %div3A, %sub3A : i32
    %select_n3A = arith.select %and3A, %sub3A_16, %div3A : i32
    %add3A = arith.constant 1 : i32
    %add3A_17 = arith.addi %arg1, %add3A : i32
    %mul3A_18 = arith.constant 1250 : i32
    %mul3A_19 = arith.muli %add3A_17, %mul3A_18 : i32
    %jit3A_20 = arith.constant 16 : i32
    %div3A_21 = arith.divsi %mul3A_19, %jit3A_20 : i32
    %sign3A_22 = arith.constant 0 : i32
    %sign3A_23 = arith.cmpi sgt, %mul3A_19, %sign3A_22 : i32
    %sign3A_24 = arith.extui %sign3A_23 : i1 to i32
    %sign3A_25 = arith.constant 0 : i32
    %sign3A_26 = arith.cmpi slt, %mul3A_19, %sign3A_25 : i32
    %sign3A_27 = arith.extui %sign3A_26 : i1 to i32
    %sign3A_28 = arith.subi %sign3A_24, %sign3A_27 : i32
    %sign3A_29 = arith.constant 0 : i32
    %sign3A_30 = arith.cmpi sgt, %jit3A_20, %sign3A_29 : i32
    %sign3A_31 = arith.extui %sign3A_30 : i1 to i32
    %sign3A_32 = arith.constant 0 : i32
    %sign3A_33 = arith.cmpi slt, %jit3A_20, %sign3A_32 : i32
    %sign3A_34 = arith.extui %sign3A_33 : i1 to i32
    %sign3A_35 = arith.subi %sign3A_31, %sign3A_34 : i32
    %ne3A_36 = arith.cmpi ne, %sign3A_28, %sign3A_35 : i32
    %rem3A_37 = arith.remsi %mul3A_19, %jit3A_20 : i32
    %ne3A_38 = arith.constant 0 : i32
    %ne3A_39 = arith.cmpi ne, %rem3A_37, %ne3A_38 : i32
    %and3A_40 = arith.andi %ne3A_36, %ne3A_39 : i1
    %sub3A_41 = arith.constant 1 : i32
    %sub3A_42 = arith.subi %div3A_21, %sub3A_41 : i32
    %select_n3A_43 = arith.select %and3A_40, %sub3A_42, %div3A_21 : i32
    %sub3A_44 = arith.subi %select_n3A_43, %select_n3A : i32
    %mul3A_45 = arith.constant 256 : i32
    %mul3A_46 = arith.muli %select_n3A, %mul3A_45 : i32
    %dma_start3A = arith.constant 0 : i32
    %dma_start3A_47 = tpu.memref_slice %arg2[%arg0, %dma_start3A, %mul3A_46] : memref<2x1x320000xi32, #tpu.memory_space<hbm>> -> memref<1x1x20224xi32, #tpu.memory_space<hbm>>
    %dma_start3A_48 = tpu.memref_squeeze %dma_start3A_47 : memref<1x1x20224xi32, #tpu.memory_space<hbm>> -> memref<20224xi32, #tpu.memory_space<hbm>>
    %dma_start3A_49 = tpu.memref_slice %arg2[%arg0, %dma_start3A, %mul3A_46] : memref<2x1x320000xi32, #tpu.memory_space<hbm>> -> memref<1x1x20224xi32, #tpu.memory_space<hbm>>
    %dma_start3A_50 = tpu.memref_squeeze %dma_start3A_49 : memref<1x1x20224xi32, #tpu.memory_space<hbm>> -> memref<20224xi32, #tpu.memory_space<hbm>>
    tpu.enqueue_dma source(%dma_start3A_50 : memref<20224xi32, #tpu.memory_space<hbm>>) target(%arg4 : memref<20224xi32, #tpu.memory_space<vmem>>) target_semaphore(%arg8 : memref<!tpu.dma_semaphore, #tpu.memory_space<semaphore_mem>>)
    %scan3A = arith.constant 0 : i32
    %scan3A_51 = arith.constant 0 : i32
    %scan3A_52 = arith.constant 16 : i32
    %scan3A_53 = arith.addi %scan3A_51, %scan3A_52 : i32
    %scan3A_54 = arith.constant 1 : i32
    scf.for %scan3A_82 = %scan3A_51 to %scan3A_53 step %scan3A_54  : i32 {
      %broadcast_in_dim3A = arith.constant 1.000000e+00 : f32
      %broadcast_in_dim3A_83 = vector.broadcast %broadcast_in_dim3A : f32 to vector<16xf32>
      %mul3A_84 = arith.constant 16 : i32
      %mul3A_85 = arith.muli %scan3A_82, %mul3A_84 : i32
      %swap3A = arith.index_cast %mul3A_85 : i32 to index
      %swap3A_86 = tpu.vector_load %arg5[%swap3A] {strides = array<i32>} : memref<256xf32, #tpu.memory_space<vmem>>, vector<16xf32>,
      %swap3A_87 = vector.shape_cast %swap3A_86 : vector<16xf32> to vector<16xf32>
      %swap3A_88 = vector.shape_cast %broadcast_in_dim3A_83 : vector<16xf32> to vector<16xf32>
      tpu.vector_store %arg5[%swap3A], %swap3A_88 {strides = array<i32>} : memref<256xf32, #tpu.memory_space<vmem>>, vector<16xf32>,
    }
    %scan3A_55 = arith.constant 16 : i32
    %scan3A_56 = arith.constant 0 : i32
    %scan3A_57 = arith.constant 0 : i32
    %scan3A_58 = arith.constant 40 : i32
    %scan3A_59 = arith.addi %scan3A_57, %scan3A_58 : i32
    %scan3A_60 = arith.constant 1 : i32
    scf.for %scan3A_82 = %scan3A_57 to %scan3A_59 step %scan3A_60  : i32 {
      %broadcast_in_dim3A = arith.constant 0.000000e+00 : f32
      %broadcast_in_dim3A_83 = vector.broadcast %broadcast_in_dim3A : f32 to vector<16xf32>
      %mul3A_84 = arith.constant 16 : i32
      %mul3A_85 = arith.muli %scan3A_82, %mul3A_84 : i32
      %swap3A = arith.index_cast %mul3A_85 : i32 to index
      %swap3A_86 = tpu.vector_load %arg6[%swap3A] {strides = array<i32>} : memref<640xf32, #tpu.memory_space<vmem>>, vector<16xf32>,
      %swap3A_87 = vector.shape_cast %swap3A_86 : vector<16xf32> to vector<16xf32>
      %swap3A_88 = vector.shape_cast %broadcast_in_dim3A_83 : vector<16xf32> to vector<16xf32>
      tpu.vector_store %arg6[%swap3A], %swap3A_88 {strides = array<i32>} : memref<640xf32, #tpu.memory_space<vmem>>, vector<16xf32>,
    }
    %scan3A_61 = arith.constant 40 : i32
    %mul3A_62 = arith.constant 640 : i32
    %mul3A_63 = arith.muli %arg1, %mul3A_62 : i32
    "tpu.region"() ({
      %run_scoped3A = tpu.sem_alloc : memref<!tpu.dma_semaphore, #tpu.memory_space<semaphore_mem>>
      %dma_start3A_82 = tpu.memref_slice %arg7[%mul3A_63] : memref<10240xf32, #tpu.memory_space<vmem_shared>> -> memref<640xf32, #tpu.memory_space<vmem_shared>>
      %dma_start3A_83 = tpu.memref_slice %arg7[%mul3A_63] : memref<10240xf32, #tpu.memory_space<vmem_shared>> -> memref<640xf32, #tpu.memory_space<vmem_shared>>
      tpu.enqueue_dma source(%arg6 : memref<640xf32, #tpu.memory_space<vmem>>) target(%dma_start3A_83 : memref<640xf32, #tpu.memory_space<vmem_shared>>) target_semaphore(%run_scoped3A : memref<!tpu.dma_semaphore, #tpu.memory_space<semaphore_mem>>)
      %dma_wait3A_84 = tpu.memref_slice %arg7[%mul3A_63] : memref<10240xf32, #tpu.memory_space<vmem_shared>> -> memref<640xf32, #tpu.memory_space<vmem_shared>>
      %dma_wait3A_85 = tpu.memref_slice %arg7[%mul3A_63] : memref<10240xf32, #tpu.memory_space<vmem_shared>> -> memref<640xf32, #tpu.memory_space<vmem_shared>>
      tpu.wait_dma2 semaphore(%run_scoped3A : memref<!tpu.dma_semaphore, #tpu.memory_space<semaphore_mem>>) src(%arg6 : memref<640xf32, #tpu.memory_space<vmem>>) dst(%dma_wait3A_85 : memref<640xf32, #tpu.memory_space<vmem_shared>>)
      tpu.yield
    }) : () -> ()
    %mul3A_64 = arith.constant 256 : i32
    %mul3A_65 = arith.muli %select_n3A, %mul3A_64 : i32
    %dma_wait3A = arith.constant 0 : i32
    %dma_wait3A_66 = tpu.memref_slice %arg2[%arg0, %dma_wait3A, %mul3A_65] : memref<2x1x320000xi32, #tpu.memory_space<hbm>> -> memref<1x1x20224xi32, #tpu.memory_space<hbm>>
    %dma_wait3A_67 = tpu.memref_squeeze %dma_wait3A_66 : memref<1x1x20224xi32, #tpu.memory_space<hbm>> -> memref<20224xi32, #tpu.memory_space<hbm>>
    %dma_wait3A_68 = tpu.memref_slice %arg2[%arg0, %dma_wait3A, %mul3A_65] : memref<2x1x320000xi32, #tpu.memory_space<hbm>> -> memref<1x1x20224xi32, #tpu.memory_space<hbm>>
    %dma_wait3A_69 = tpu.memref_squeeze %dma_wait3A_68 : memref<1x1x20224xi32, #tpu.memory_space<hbm>> -> memref<20224xi32, #tpu.memory_space<hbm>>
    tpu.wait_dma2 semaphore(%arg8 : memref<!tpu.dma_semaphore, #tpu.memory_space<semaphore_mem>>) src(%dma_wait3A_69 : memref<20224xi32, #tpu.memory_space<hbm>>) dst(%arg4 : memref<20224xi32, #tpu.memory_space<vmem>>)
    %barrier3A = arith.constant 0 : index
    tpu.barrier barrier_id(%barrier3A)
    %while3A = arith.constant 0 : i32
    %while3A_70 = arith.constant 0 : i32
    %while3A_71 = arith.subi %sub3A_44, %while3A_70 : i32
    %while3A_72 = arith.addi %while3A_70, %while3A_71 : i32
    %while3A_73 = arith.constant 1 : i32
    %while3A_74 = arith.divsi %while3A_71, %while3A_73 : i32
    %while3A_75 = arith.muli %while3A_74, %while3A_73 : i32
    %while3A_76 = arith.addi %while3A_70, %while3A_75 : i32
    %while3A_77 = arith.constant 1 : i32
    scf.for %while3A_82 = %while3A_70 to %while3A_76 step %while3A_77  : i32 {
      %mul3A_83 = arith.constant 256 : i32
      %mul3A_84 = arith.muli %while3A_82, %mul3A_83 : i32
      "tpu.region"() ({
        %run_scoped3A = tpu.sem_alloc : memref<!tpu.dma_semaphore, #tpu.memory_space<semaphore_mem>>
        %dma_start3A_85 = tpu.memref_slice %arg4[%mul3A_84] : memref<20224xi32, #tpu.memory_space<vmem>> -> memref<256xi32, #tpu.memory_space<vmem>>
        %dma_start3A_86 = arith.constant 0 : i32
        %dma_start3A_87 = tpu.memref_slice %arg7[%dma_start3A_86] : memref<10240xf32, #tpu.memory_space<vmem_shared>> -> memref<10240xf32, #tpu.memory_space<vmem_shared>>
        tpu.enqueue_indirect_dma source(%arg5 : memref<256xf32, #tpu.memory_space<vmem>>) target(%dma_start3A_87 : memref<10240xf32, #tpu.memory_space<vmem_shared>>) offsets(%dma_start3A_85 : memref<256xi32, #tpu.memory_space<vmem>>) semaphore(%run_scoped3A : memref<!tpu.dma_semaphore, #tpu.memory_space<semaphore_mem>>) {add = true}
        %dma_wait3A_88 = tpu.memref_slice %arg4[%mul3A_84] : memref<20224xi32, #tpu.memory_space<vmem>> -> memref<256xi32, #tpu.memory_space<vmem>>
        %dma_wait3A_89 = arith.constant 0 : i32
        %dma_wait3A_90 = tpu.memref_slice %arg7[%dma_wait3A_89] : memref<10240xf32, #tpu.memory_space<vmem_shared>> -> memref<10240xf32, #tpu.memory_space<vmem_shared>>
        tpu.wait_indirect_dma semaphore(%run_scoped3A : memref<!tpu.dma_semaphore, #tpu.memory_space<semaphore_mem>>) src(%arg5 : memref<256xf32, #tpu.memory_space<vmem>>) dst(%dma_wait3A_90 : memref<10240xf32, #tpu.memory_space<vmem_shared>>)
        tpu.yield
      }) : () -> ()
    }
    %while3A_78 = arith.constant 1 : i32
    scf.for %while3A_82 = %while3A_76 to %while3A_72 step %while3A_78  : i32 {
      %mul3A_83 = arith.constant 256 : i32
      %mul3A_84 = arith.muli %while3A_82, %mul3A_83 : i32
      "tpu.region"() ({
        %run_scoped3A = tpu.sem_alloc : memref<!tpu.dma_semaphore, #tpu.memory_space<semaphore_mem>>
        %dma_start3A_85 = tpu.memref_slice %arg4[%mul3A_84] : memref<20224xi32, #tpu.memory_space<vmem>> -> memref<256xi32, #tpu.memory_space<vmem>>
        %dma_start3A_86 = arith.constant 0 : i32
        %dma_start3A_87 = tpu.memref_slice %arg7[%dma_start3A_86] : memref<10240xf32, #tpu.memory_space<vmem_shared>> -> memref<10240xf32, #tpu.memory_space<vmem_shared>>
        tpu.enqueue_indirect_dma source(%arg5 : memref<256xf32, #tpu.memory_space<vmem>>) target(%dma_start3A_87 : memref<10240xf32, #tpu.memory_space<vmem_shared>>) offsets(%dma_start3A_85 : memref<256xi32, #tpu.memory_space<vmem>>) semaphore(%run_scoped3A : memref<!tpu.dma_semaphore, #tpu.memory_space<semaphore_mem>>) {add = true}
        %dma_wait3A_88 = tpu.memref_slice %arg4[%mul3A_84] : memref<20224xi32, #tpu.memory_space<vmem>> -> memref<256xi32, #tpu.memory_space<vmem>>
        %dma_wait3A_89 = arith.constant 0 : i32
        %dma_wait3A_90 = tpu.memref_slice %arg7[%dma_wait3A_89] : memref<10240xf32, #tpu.memory_space<vmem_shared>> -> memref<10240xf32, #tpu.memory_space<vmem_shared>>
        tpu.wait_indirect_dma semaphore(%run_scoped3A : memref<!tpu.dma_semaphore, #tpu.memory_space<semaphore_mem>>) src(%arg5 : memref<256xf32, #tpu.memory_space<vmem>>) dst(%dma_wait3A_90 : memref<10240xf32, #tpu.memory_space<vmem_shared>>)
        tpu.yield
      }) : () -> ()
    }
    %barrier3A_79 = arith.constant 0 : index
    tpu.barrier barrier_id(%barrier3A_79)
    %mul3A_80 = arith.constant 640 : i32
    %mul3A_81 = arith.muli %arg1, %mul3A_80 : i32
    "tpu.region"() ({
      %run_scoped3A = tpu.sem_alloc : memref<!tpu.dma_semaphore, #tpu.memory_space<semaphore_mem>>
      %dma_start3A_82 = tpu.memref_slice %arg3[%arg0, %mul3A_81] : memref<2x10240xf32, #tpu.memory_space<hbm>> -> memref<1x640xf32, #tpu.memory_space<hbm>>
      %dma_start3A_83 = tpu.memref_squeeze %dma_start3A_82 : memref<1x640xf32, #tpu.memory_space<hbm>> -> memref<640xf32, #tpu.memory_space<hbm>>
      %dma_start3A_84 = tpu.memref_slice %arg7[%mul3A_81] : memref<10240xf32, #tpu.memory_space<vmem_shared>> -> memref<640xf32, #tpu.memory_space<vmem_shared>>
      tpu.enqueue_dma source(%dma_start3A_84 : memref<640xf32, #tpu.memory_space<vmem_shared>>) target(%dma_start3A_83 : memref<640xf32, #tpu.memory_space<hbm>>) target_semaphore(%run_scoped3A : memref<!tpu.dma_semaphore, #tpu.memory_space<semaphore_mem>>)
      %dma_wait3A_85 = tpu.memref_slice %arg3[%arg0, %mul3A_81] : memref<2x10240xf32, #tpu.memory_space<hbm>> -> memref<1x640xf32, #tpu.memory_space<hbm>>
      %dma_wait3A_86 = tpu.memref_squeeze %dma_wait3A_85 : memref<1x640xf32, #tpu.memory_space<hbm>> -> memref<640xf32, #tpu.memory_space<hbm>>
      %dma_wait3A_87 = tpu.memref_slice %arg7[%mul3A_81] : memref<10240xf32, #tpu.memory_space<vmem_shared>> -> memref<640xf32, #tpu.memory_space<vmem_shared>>
      tpu.wait_dma2 semaphore(%run_scoped3A : memref<!tpu.dma_semaphore, #tpu.memory_space<semaphore_mem>>) src(%dma_wait3A_87 : memref<640xf32, #tpu.memory_space<vmem_shared>>) dst(%dma_wait3A_86 : memref<640xf32, #tpu.memory_space<hbm>>)
      tpu.yield
    }) : () -> ()
    return
  }
}

#map = affine_map<(d0, d1) -> (0, 0)>
#map1 = affine_map<(d0, d1) -> (0, 0, 0)>
module attributes {stable_mosaic.version = 14 : i64} {
  func.func @_agg_body(%arg0: i32, %arg1: i32, %arg2: memref<10000x128xf32, #tpu.memory_space<hbm>>, %arg3: memref<2x1x320000xi32, #tpu.memory_space<hbm>>, %arg4: memref<2x10240x128xf32, #tpu.memory_space<hbm>>, %arg5: memref<2560xi32, #tpu.memory_space<vmem>>, %arg6: memref<2560xi32, #tpu.memory_space<vmem>>, %arg7: memref<128x128xf32, #tpu.memory_space<vmem>>, %arg8: memref<128x128xf32, #tpu.memory_space<vmem>>, %arg9: memref<10240x128xf32, #tpu.memory_space<vmem_shared>>, %arg10: memref<!tpu.dma_semaphore, #tpu.memory_space<semaphore_mem>>, %arg11: memref<!tpu.dma_semaphore, #tpu.memory_space<semaphore_mem>>) attributes {dimension_semantics = [#tpu.dimension_semantics<core_parallel>, #tpu.dimension_semantics<subcore_parallel>], iteration_bounds = array<i64: 2, 16>, scalar_prefetch = 0 : i64, scratch_operands = 7 : i64, tpu.core_type = #tpu.core_type<sc_vector_subcore>, window_params = [{transform_indices = #map}, {transform_indices = #map1}, {transform_indices = #map1}]} {
    %mul3A = arith.constant 16 : i32
    %mul3A_0 = arith.muli %arg0, %mul3A : i32
    %add3A = arith.addi %mul3A_0, %arg1 : i32
    %mul3A_1 = arith.constant 125 : i32
    %mul3A_2 = arith.muli %add3A, %mul3A_1 : i32
    %jit3A = arith.constant 32 : i32
    %div3A = arith.divsi %mul3A_2, %jit3A : i32
    %sign3A = arith.constant 0 : i32
    %sign3A_3 = arith.cmpi sgt, %mul3A_2, %sign3A : i32
    %sign3A_4 = arith.extui %sign3A_3 : i1 to i32
    %sign3A_5 = arith.constant 0 : i32
    %sign3A_6 = arith.cmpi slt, %mul3A_2, %sign3A_5 : i32
    %sign3A_7 = arith.extui %sign3A_6 : i1 to i32
    %sign3A_8 = arith.subi %sign3A_4, %sign3A_7 : i32
    %sign3A_9 = arith.constant 0 : i32
    %sign3A_10 = arith.cmpi sgt, %jit3A, %sign3A_9 : i32
    %sign3A_11 = arith.extui %sign3A_10 : i1 to i32
    %sign3A_12 = arith.constant 0 : i32
    %sign3A_13 = arith.cmpi slt, %jit3A, %sign3A_12 : i32
    %sign3A_14 = arith.extui %sign3A_13 : i1 to i32
    %sign3A_15 = arith.subi %sign3A_11, %sign3A_14 : i32
    %ne3A = arith.cmpi ne, %sign3A_8, %sign3A_15 : i32
    %rem3A = arith.remsi %mul3A_2, %jit3A : i32
    %ne3A_16 = arith.constant 0 : i32
    %ne3A_17 = arith.cmpi ne, %rem3A, %ne3A_16 : i32
    %and3A = arith.andi %ne3A, %ne3A_17 : i1
    %sub3A = arith.constant 1 : i32
    %sub3A_18 = arith.subi %div3A, %sub3A : i32
    %select_n3A = arith.select %and3A, %sub3A_18, %div3A : i32
    %add3A_19 = arith.constant 1 : i32
    %add3A_20 = arith.addi %add3A, %add3A_19 : i32
    %mul3A_21 = arith.constant 125 : i32
    %mul3A_22 = arith.muli %add3A_20, %mul3A_21 : i32
    %jit3A_23 = arith.constant 32 : i32
    %div3A_24 = arith.divsi %mul3A_22, %jit3A_23 : i32
    %sign3A_25 = arith.constant 0 : i32
    %sign3A_26 = arith.cmpi sgt, %mul3A_22, %sign3A_25 : i32
    %sign3A_27 = arith.extui %sign3A_26 : i1 to i32
    %sign3A_28 = arith.constant 0 : i32
    %sign3A_29 = arith.cmpi slt, %mul3A_22, %sign3A_28 : i32
    %sign3A_30 = arith.extui %sign3A_29 : i1 to i32
    %sign3A_31 = arith.subi %sign3A_27, %sign3A_30 : i32
    %sign3A_32 = arith.constant 0 : i32
    %sign3A_33 = arith.cmpi sgt, %jit3A_23, %sign3A_32 : i32
    %sign3A_34 = arith.extui %sign3A_33 : i1 to i32
    %sign3A_35 = arith.constant 0 : i32
    %sign3A_36 = arith.cmpi slt, %jit3A_23, %sign3A_35 : i32
    %sign3A_37 = arith.extui %sign3A_36 : i1 to i32
    %sign3A_38 = arith.subi %sign3A_34, %sign3A_37 : i32
    %ne3A_39 = arith.cmpi ne, %sign3A_31, %sign3A_38 : i32
    %rem3A_40 = arith.remsi %mul3A_22, %jit3A_23 : i32
    %ne3A_41 = arith.constant 0 : i32
    %ne3A_42 = arith.cmpi ne, %rem3A_40, %ne3A_41 : i32
    %and3A_43 = arith.andi %ne3A_39, %ne3A_42 : i1
    %sub3A_44 = arith.constant 1 : i32
    %sub3A_45 = arith.subi %div3A_24, %sub3A_44 : i32
    %select_n3A_46 = arith.select %and3A_43, %sub3A_45, %div3A_24 : i32
    %sub3A_47 = arith.subi %select_n3A_46, %select_n3A : i32
    %scan3A = arith.constant 0 : i32
    %scan3A_48 = arith.constant 0 : i32
    %scan3A_49 = arith.constant 1024 : i32
    %scan3A_50 = arith.addi %scan3A_48, %scan3A_49 : i32
    %scan3A_51 = arith.constant 1 : i32
    scf.for %scan3A_71 = %scan3A_48 to %scan3A_50 step %scan3A_51  : i32 {
      %broadcast_in_dim3A = arith.constant 0.000000e+00 : f32
      %broadcast_in_dim3A_72 = vector.broadcast %broadcast_in_dim3A : f32 to vector<16xf32>
      %jit3A_73 = arith.constant 8 : i32
      %div3A_74 = arith.divsi %scan3A_71, %jit3A_73 : i32
      %sign3A_75 = arith.constant 0 : i32
      %sign3A_76 = arith.cmpi sgt, %scan3A_71, %sign3A_75 : i32
      %sign3A_77 = arith.extui %sign3A_76 : i1 to i32
      %sign3A_78 = arith.constant 0 : i32
      %sign3A_79 = arith.cmpi slt, %scan3A_71, %sign3A_78 : i32
      %sign3A_80 = arith.extui %sign3A_79 : i1 to i32
      %sign3A_81 = arith.subi %sign3A_77, %sign3A_80 : i32
      %sign3A_82 = arith.constant 0 : i32
      %sign3A_83 = arith.cmpi sgt, %jit3A_73, %sign3A_82 : i32
      %sign3A_84 = arith.extui %sign3A_83 : i1 to i32
      %sign3A_85 = arith.constant 0 : i32
      %sign3A_86 = arith.cmpi slt, %jit3A_73, %sign3A_85 : i32
      %sign3A_87 = arith.extui %sign3A_86 : i1 to i32
      %sign3A_88 = arith.subi %sign3A_84, %sign3A_87 : i32
      %ne3A_89 = arith.cmpi ne, %sign3A_81, %sign3A_88 : i32
      %rem3A_90 = arith.remsi %scan3A_71, %jit3A_73 : i32
      %ne3A_91 = arith.constant 0 : i32
      %ne3A_92 = arith.cmpi ne, %rem3A_90, %ne3A_91 : i32
      %and3A_93 = arith.andi %ne3A_89, %ne3A_92 : i1
      %sub3A_94 = arith.constant 1 : i32
      %sub3A_95 = arith.subi %div3A_74, %sub3A_94 : i32
      %select_n3A_96 = arith.select %and3A_93, %sub3A_95, %div3A_74 : i32
      %jit3A_97 = arith.constant 8 : i32
      %eq3A = arith.constant 0 : i32
      %eq3A_98 = arith.cmpi eq, %jit3A_97, %eq3A : i32
      %jit3A_99 = arith.constant 1 : i32
      %select_n3A_100 = arith.select %eq3A_98, %jit3A_99, %jit3A_97 : i32
      %rem3A_101 = arith.remsi %scan3A_71, %select_n3A_100 : i32
      %ne3A_102 = arith.constant 0 : i32
      %ne3A_103 = arith.cmpi ne, %rem3A_101, %ne3A_102 : i32
      %lt3A = arith.constant 0 : i32
      %lt3A_104 = arith.cmpi slt, %rem3A_101, %lt3A : i32
      %lt3A_105 = arith.constant 0 : i32
      %lt3A_106 = arith.cmpi slt, %select_n3A_100, %lt3A_105 : i32
      %ne3A_107 = arith.xori %lt3A_104, %lt3A_106 : i1
      %and3A_108 = arith.andi %ne3A_107, %ne3A_103 : i1
      %add3A_109 = arith.addi %rem3A_101, %select_n3A_100 : i32
      %select_n3A_110 = arith.select %and3A_108, %add3A_109, %rem3A_101 : i32
      %mul3A_111 = arith.constant 16 : i32
      %mul3A_112 = arith.muli %select_n3A_110, %mul3A_111 : i32
      %swap3A = arith.index_cast %select_n3A_96 : i32 to index
      %swap3A_113 = arith.index_cast %mul3A_112 : i32 to index
      %swap3A_114 = tpu.vector_load %arg7[%swap3A, %swap3A_113] {strides = array<i32>} : memref<128x128xf32, #tpu.memory_space<vmem>>, vector<1x16xf32>,
      %swap3A_115 = vector.shape_cast %swap3A_114 : vector<1x16xf32> to vector<16xf32>
      %swap3A_116 = vector.shape_cast %broadcast_in_dim3A_72 : vector<16xf32> to vector<1x16xf32>
      tpu.vector_store %arg7[%swap3A, %swap3A_113], %swap3A_116 {strides = array<i32>} : memref<128x128xf32, #tpu.memory_space<vmem>>, vector<1x16xf32>,
    }
    %scan3A_52 = arith.constant 1024 : i32
    %scan3A_53 = arith.constant 0 : i32
    %scan3A_54 = arith.constant 0 : i32
    %scan3A_55 = arith.constant 5 : i32
    %scan3A_56 = arith.addi %scan3A_54, %scan3A_55 : i32
    %scan3A_57 = arith.constant 1 : i32
    scf.for %scan3A_71 = %scan3A_54 to %scan3A_56 step %scan3A_57  : i32 {
      %mul3A_72 = arith.constant 640 : i32
      %mul3A_73 = arith.muli %arg1, %mul3A_72 : i32
      %mul3A_74 = arith.constant 128 : i32
      %mul3A_75 = arith.muli %scan3A_71, %mul3A_74 : i32
      %add3A_76 = arith.addi %mul3A_73, %mul3A_75 : i32
      "tpu.region"() ({
        %run_scoped3A = tpu.sem_alloc : memref<!tpu.dma_semaphore, #tpu.memory_space<semaphore_mem>>
        %dma_start3A = arith.constant 0 : i32
        %dma_start3A_77 = tpu.memref_slice %arg9[%add3A_76, %dma_start3A] : memref<10240x128xf32, #tpu.memory_space<vmem_shared>> -> memref<128x128xf32, #tpu.memory_space<vmem_shared>>
        %dma_start3A_78 = arith.constant 0 : i32
        %dma_start3A_79 = tpu.memref_slice %arg9[%add3A_76, %dma_start3A_78] : memref<10240x128xf32, #tpu.memory_space<vmem_shared>> -> memref<128x128xf32, #tpu.memory_space<vmem_shared>>
        tpu.enqueue_dma source(%arg7 : memref<128x128xf32, #tpu.memory_space<vmem>>) target(%dma_start3A_79 : memref<128x128xf32, #tpu.memory_space<vmem_shared>>) target_semaphore(%run_scoped3A : memref<!tpu.dma_semaphore, #tpu.memory_space<semaphore_mem>>)
        %dma_wait3A = arith.constant 0 : i32
        %dma_wait3A_80 = tpu.memref_slice %arg9[%add3A_76, %dma_wait3A] : memref<10240x128xf32, #tpu.memory_space<vmem_shared>> -> memref<128x128xf32, #tpu.memory_space<vmem_shared>>
        %dma_wait3A_81 = arith.constant 0 : i32
        %dma_wait3A_82 = tpu.memref_slice %arg9[%add3A_76, %dma_wait3A_81] : memref<10240x128xf32, #tpu.memory_space<vmem_shared>> -> memref<128x128xf32, #tpu.memory_space<vmem_shared>>
        tpu.wait_dma2 semaphore(%run_scoped3A : memref<!tpu.dma_semaphore, #tpu.memory_space<semaphore_mem>>) src(%arg7 : memref<128x128xf32, #tpu.memory_space<vmem>>) dst(%dma_wait3A_82 : memref<128x128xf32, #tpu.memory_space<vmem_shared>>)
        tpu.yield
      }) : () -> ()
    }
    %scan3A_58 = arith.constant 5 : i32
    %barrier3A = arith.constant 0 : index
    tpu.barrier barrier_id(%barrier3A)
    %while3A = arith.constant 0 : i32
    %while3A_59 = arith.constant 0 : i32
    %while3A_60 = arith.subi %sub3A_47, %while3A_59 : i32
    %while3A_61 = arith.addi %while3A_59, %while3A_60 : i32
    %while3A_62 = arith.constant 1 : i32
    %while3A_63 = arith.divsi %while3A_60, %while3A_62 : i32
    %while3A_64 = arith.muli %while3A_63, %while3A_62 : i32
    %while3A_65 = arith.addi %while3A_59, %while3A_64 : i32
    %while3A_66 = arith.constant 1 : i32
    scf.for %while3A_71 = %while3A_59 to %while3A_65 step %while3A_66  : i32 {
      %add3A_72 = arith.addi %select_n3A, %while3A_71 : i32
      %mul3A_73 = arith.constant 2560 : i32
      %mul3A_74 = arith.muli %add3A_72, %mul3A_73 : i32
      %run_scoped3A = arith.constant 0 : i32
      %run_scoped3A_75 = arith.constant 0 : i32
      "tpu.region"() ({
        %run_scoped3A_90 = tpu.sem_alloc : memref<!tpu.dma_semaphore, #tpu.memory_space<semaphore_mem>>
        %dma_start3A_91 = tpu.memref_slice %arg3[%run_scoped3A, %run_scoped3A_75, %mul3A_74] : memref<2x1x320000xi32, #tpu.memory_space<hbm>> -> memref<1x1x2560xi32, #tpu.memory_space<hbm>>
        %dma_start3A_92 = tpu.memref_squeeze %dma_start3A_91 : memref<1x1x2560xi32, #tpu.memory_space<hbm>> -> memref<2560xi32, #tpu.memory_space<hbm>>
        %dma_start3A_93 = tpu.memref_slice %arg3[%run_scoped3A, %run_scoped3A_75, %mul3A_74] : memref<2x1x320000xi32, #tpu.memory_space<hbm>> -> memref<1x1x2560xi32, #tpu.memory_space<hbm>>
        %dma_start3A_94 = tpu.memref_squeeze %dma_start3A_93 : memref<1x1x2560xi32, #tpu.memory_space<hbm>> -> memref<2560xi32, #tpu.memory_space<hbm>>
        tpu.enqueue_dma source(%dma_start3A_94 : memref<2560xi32, #tpu.memory_space<hbm>>) target(%arg5 : memref<2560xi32, #tpu.memory_space<vmem>>) target_semaphore(%run_scoped3A_90 : memref<!tpu.dma_semaphore, #tpu.memory_space<semaphore_mem>>)
        %dma_wait3A = tpu.memref_slice %arg3[%run_scoped3A, %run_scoped3A_75, %mul3A_74] : memref<2x1x320000xi32, #tpu.memory_space<hbm>> -> memref<1x1x2560xi32, #tpu.memory_space<hbm>>
        %dma_wait3A_95 = tpu.memref_squeeze %dma_wait3A : memref<1x1x2560xi32, #tpu.memory_space<hbm>> -> memref<2560xi32, #tpu.memory_space<hbm>>
        %dma_wait3A_96 = tpu.memref_slice %arg3[%run_scoped3A, %run_scoped3A_75, %mul3A_74] : memref<2x1x320000xi32, #tpu.memory_space<hbm>> -> memref<1x1x2560xi32, #tpu.memory_space<hbm>>
        %dma_wait3A_97 = tpu.memref_squeeze %dma_wait3A_96 : memref<1x1x2560xi32, #tpu.memory_space<hbm>> -> memref<2560xi32, #tpu.memory_space<hbm>>
        tpu.wait_dma2 semaphore(%run_scoped3A_90 : memref<!tpu.dma_semaphore, #tpu.memory_space<semaphore_mem>>) src(%dma_wait3A_97 : memref<2560xi32, #tpu.memory_space<hbm>>) dst(%arg5 : memref<2560xi32, #tpu.memory_space<vmem>>)
        tpu.yield
      }) : () -> ()
      %mul3A_76 = arith.constant 2560 : i32
      %mul3A_77 = arith.muli %add3A_72, %mul3A_76 : i32
      %run_scoped3A_78 = arith.constant 1 : i32
      %run_scoped3A_79 = arith.constant 0 : i32
      "tpu.region"() ({
        %run_scoped3A_90 = tpu.sem_alloc : memref<!tpu.dma_semaphore, #tpu.memory_space<semaphore_mem>>
        %dma_start3A_91 = tpu.memref_slice %arg3[%run_scoped3A_78, %run_scoped3A_79, %mul3A_77] : memref<2x1x320000xi32, #tpu.memory_space<hbm>> -> memref<1x1x2560xi32, #tpu.memory_space<hbm>>
        %dma_start3A_92 = tpu.memref_squeeze %dma_start3A_91 : memref<1x1x2560xi32, #tpu.memory_space<hbm>> -> memref<2560xi32, #tpu.memory_space<hbm>>
        %dma_start3A_93 = tpu.memref_slice %arg3[%run_scoped3A_78, %run_scoped3A_79, %mul3A_77] : memref<2x1x320000xi32, #tpu.memory_space<hbm>> -> memref<1x1x2560xi32, #tpu.memory_space<hbm>>
        %dma_start3A_94 = tpu.memref_squeeze %dma_start3A_93 : memref<1x1x2560xi32, #tpu.memory_space<hbm>> -> memref<2560xi32, #tpu.memory_space<hbm>>
        tpu.enqueue_dma source(%dma_start3A_94 : memref<2560xi32, #tpu.memory_space<hbm>>) target(%arg6 : memref<2560xi32, #tpu.memory_space<vmem>>) target_semaphore(%run_scoped3A_90 : memref<!tpu.dma_semaphore, #tpu.memory_space<semaphore_mem>>)
        %dma_wait3A = tpu.memref_slice %arg3[%run_scoped3A_78, %run_scoped3A_79, %mul3A_77] : memref<2x1x320000xi32, #tpu.memory_space<hbm>> -> memref<1x1x2560xi32, #tpu.memory_space<hbm>>
        %dma_wait3A_95 = tpu.memref_squeeze %dma_wait3A : memref<1x1x2560xi32, #tpu.memory_space<hbm>> -> memref<2560xi32, #tpu.memory_space<hbm>>
        %dma_wait3A_96 = tpu.memref_slice %arg3[%run_scoped3A_78, %run_scoped3A_79, %mul3A_77] : memref<2x1x320000xi32, #tpu.memory_space<hbm>> -> memref<1x1x2560xi32, #tpu.memory_space<hbm>>
        %dma_wait3A_97 = tpu.memref_squeeze %dma_wait3A_96 : memref<1x1x2560xi32, #tpu.memory_space<hbm>> -> memref<2560xi32, #tpu.memory_space<hbm>>
        tpu.wait_dma2 semaphore(%run_scoped3A_90 : memref<!tpu.dma_semaphore, #tpu.memory_space<semaphore_mem>>) src(%dma_wait3A_97 : memref<2560xi32, #tpu.memory_space<hbm>>) dst(%arg6 : memref<2560xi32, #tpu.memory_space<vmem>>)
        tpu.yield
      }) : () -> ()
      %dma_start3A = arith.constant 0 : i32
      %dma_start3A_80 = tpu.memref_slice %arg5[%dma_start3A] : memref<2560xi32, #tpu.memory_space<vmem>> -> memref<128xi32, #tpu.memory_space<vmem>>
      %dma_start3A_81 = arith.constant 0 : i32
      %dma_start3A_82 = arith.constant 0 : i32
      %dma_start3A_83 = tpu.memref_slice %arg2[%dma_start3A_81, %dma_start3A_82] : memref<10000x128xf32, #tpu.memory_space<hbm>> -> memref<10000x128xf32, #tpu.memory_space<hbm>>
      tpu.enqueue_indirect_dma source(%dma_start3A_83 : memref<10000x128xf32, #tpu.memory_space<hbm>>) target(%arg7 : memref<128x128xf32, #tpu.memory_space<vmem>>) offsets(%dma_start3A_80 : memref<128xi32, #tpu.memory_space<vmem>>) semaphore(%arg10 : memref<!tpu.dma_semaphore, #tpu.memory_space<semaphore_mem>>)
      %scan3A_84 = arith.constant 0 : i32
      %scan3A_85 = arith.constant 0 : i32
      %scan3A_86 = arith.constant 10 : i32
      %scan3A_87 = arith.addi %scan3A_85, %scan3A_86 : i32
      %scan3A_88 = arith.constant 1 : i32
      scf.for %scan3A_90 = %scan3A_85 to %scan3A_87 step %scan3A_88  : i32 {
        %mul3A_91 = arith.constant 2 : i32
        %mul3A_92 = arith.muli %mul3A_91, %scan3A_90 : i32
        %add3A_93 = arith.constant 1 : i32
        %add3A_94 = arith.addi %mul3A_92, %add3A_93 : i32
        %mul3A_95 = arith.constant 128 : i32
        %mul3A_96 = arith.muli %add3A_94, %mul3A_95 : i32
        %dma_start3A_97 = tpu.memref_slice %arg5[%mul3A_96] : memref<2560xi32, #tpu.memory_space<vmem>> -> memref<128xi32, #tpu.memory_space<vmem>>
        %dma_start3A_98 = arith.constant 0 : i32
        %dma_start3A_99 = arith.constant 0 : i32
        %dma_start3A_100 = tpu.memref_slice %arg2[%dma_start3A_98, %dma_start3A_99] : memref<10000x128xf32, #tpu.memory_space<hbm>> -> memref<10000x128xf32, #tpu.memory_space<hbm>>
        tpu.enqueue_indirect_dma source(%dma_start3A_100 : memref<10000x128xf32, #tpu.memory_space<hbm>>) target(%arg8 : memref<128x128xf32, #tpu.memory_space<vmem>>) offsets(%dma_start3A_97 : memref<128xi32, #tpu.memory_space<vmem>>) semaphore(%arg11 : memref<!tpu.dma_semaphore, #tpu.memory_space<semaphore_mem>>)
        %dma_wait3A = arith.constant 0 : i32
        %dma_wait3A_101 = tpu.memref_slice %arg5[%dma_wait3A] : memref<2560xi32, #tpu.memory_space<vmem>> -> memref<128xi32, #tpu.memory_space<vmem>>
        %dma_wait3A_102 = arith.constant 0 : i32
        %dma_wait3A_103 = arith.constant 0 : i32
        %dma_wait3A_104 = tpu.memref_slice %arg2[%dma_wait3A_102, %dma_wait3A_103] : memref<10000x128xf32, #tpu.memory_space<hbm>> -> memref<10000x128xf32, #tpu.memory_space<hbm>>
        tpu.wait_indirect_dma semaphore(%arg10 : memref<!tpu.dma_semaphore, #tpu.memory_space<semaphore_mem>>) src(%dma_wait3A_104 : memref<10000x128xf32, #tpu.memory_space<hbm>>) dst(%arg7 : memref<128x128xf32, #tpu.memory_space<vmem>>)
        %mul3A_105 = arith.constant 128 : i32
        %mul3A_106 = arith.muli %mul3A_92, %mul3A_105 : i32
        "tpu.region"() ({
          %run_scoped3A_120 = tpu.sem_alloc : memref<!tpu.dma_semaphore, #tpu.memory_space<semaphore_mem>>
          %dma_start3A_121 = tpu.memref_slice %arg6[%mul3A_106] : memref<2560xi32, #tpu.memory_space<vmem>> -> memref<128xi32, #tpu.memory_space<vmem>>
          %dma_start3A_122 = arith.constant 0 : i32
          %dma_start3A_123 = arith.constant 0 : i32
          %dma_start3A_124 = tpu.memref_slice %arg9[%dma_start3A_122, %dma_start3A_123] : memref<10240x128xf32, #tpu.memory_space<vmem_shared>> -> memref<10240x128xf32, #tpu.memory_space<vmem_shared>>
          tpu.enqueue_indirect_dma source(%arg7 : memref<128x128xf32, #tpu.memory_space<vmem>>) target(%dma_start3A_124 : memref<10240x128xf32, #tpu.memory_space<vmem_shared>>) offsets(%dma_start3A_121 : memref<128xi32, #tpu.memory_space<vmem>>) semaphore(%run_scoped3A_120 : memref<!tpu.dma_semaphore, #tpu.memory_space<semaphore_mem>>) {add = true}
          %dma_wait3A_125 = tpu.memref_slice %arg6[%mul3A_106] : memref<2560xi32, #tpu.memory_space<vmem>> -> memref<128xi32, #tpu.memory_space<vmem>>
          %dma_wait3A_126 = arith.constant 0 : i32
          %dma_wait3A_127 = arith.constant 0 : i32
          %dma_wait3A_128 = tpu.memref_slice %arg9[%dma_wait3A_126, %dma_wait3A_127] : memref<10240x128xf32, #tpu.memory_space<vmem_shared>> -> memref<10240x128xf32, #tpu.memory_space<vmem_shared>>
          tpu.wait_indirect_dma semaphore(%run_scoped3A_120 : memref<!tpu.dma_semaphore, #tpu.memory_space<semaphore_mem>>) src(%arg7 : memref<128x128xf32, #tpu.memory_space<vmem>>) dst(%dma_wait3A_128 : memref<10240x128xf32, #tpu.memory_space<vmem_shared>>)
          tpu.yield
        }) : () -> ()
        %add3A_107 = arith.constant 2 : i32
        %add3A_108 = arith.addi %mul3A_92, %add3A_107 : i32
        %lt3A = arith.constant 20 : i32
        %lt3A_109 = arith.cmpi slt, %add3A_108, %lt3A : i32
        %convert_element_type3A = arith.extui %lt3A_109 : i1 to i32
        %cond3A = arith.constant 0 : i32
        %cond3A_110 = arith.cmpi ne, %convert_element_type3A, %cond3A : i32
        scf.if %cond3A_110 {
          %add3A_120 = arith.constant 2 : i32
          %add3A_121 = arith.addi %mul3A_92, %add3A_120 : i32
          %mul3A_122 = arith.constant 128 : i32
          %mul3A_123 = arith.muli %add3A_121, %mul3A_122 : i32
          %dma_start3A_124 = tpu.memref_slice %arg5[%mul3A_123] : memref<2560xi32, #tpu.memory_space<vmem>> -> memref<128xi32, #tpu.memory_space<vmem>>
          %dma_start3A_125 = arith.constant 0 : i32
          %dma_start3A_126 = arith.constant 0 : i32
          %dma_start3A_127 = tpu.memref_slice %arg2[%dma_start3A_125, %dma_start3A_126] : memref<10000x128xf32, #tpu.memory_space<hbm>> -> memref<10000x128xf32, #tpu.memory_space<hbm>>
          tpu.enqueue_indirect_dma source(%dma_start3A_127 : memref<10000x128xf32, #tpu.memory_space<hbm>>) target(%arg7 : memref<128x128xf32, #tpu.memory_space<vmem>>) offsets(%dma_start3A_124 : memref<128xi32, #tpu.memory_space<vmem>>) semaphore(%arg10 : memref<!tpu.dma_semaphore, #tpu.memory_space<semaphore_mem>>)
        } else {
        }
        %dma_wait3A_111 = arith.constant 0 : i32
        %dma_wait3A_112 = tpu.memref_slice %arg5[%dma_wait3A_111] : memref<2560xi32, #tpu.memory_space<vmem>> -> memref<128xi32, #tpu.memory_space<vmem>>
        %dma_wait3A_113 = arith.constant 0 : i32
        %dma_wait3A_114 = arith.constant 0 : i32
        %dma_wait3A_115 = tpu.memref_slice %arg2[%dma_wait3A_113, %dma_wait3A_114] : memref<10000x128xf32, #tpu.memory_space<hbm>> -> memref<10000x128xf32, #tpu.memory_space<hbm>>
        tpu.wait_indirect_dma semaphore(%arg11 : memref<!tpu.dma_semaphore, #tpu.memory_space<semaphore_mem>>) src(%dma_wait3A_115 : memref<10000x128xf32, #tpu.memory_space<hbm>>) dst(%arg8 : memref<128x128xf32, #tpu.memory_space<vmem>>)
        %add3A_116 = arith.constant 1 : i32
        %add3A_117 = arith.addi %mul3A_92, %add3A_116 : i32
        %mul3A_118 = arith.constant 128 : i32
        %mul3A_119 = arith.muli %add3A_117, %mul3A_118 : i32
        "tpu.region"() ({
          %run_scoped3A_120 = tpu.sem_alloc : memref<!tpu.dma_semaphore, #tpu.memory_space<semaphore_mem>>
          %dma_start3A_121 = tpu.memref_slice %arg6[%mul3A_119] : memref<2560xi32, #tpu.memory_space<vmem>> -> memref<128xi32, #tpu.memory_space<vmem>>
          %dma_start3A_122 = arith.constant 0 : i32
          %dma_start3A_123 = arith.constant 0 : i32
          %dma_start3A_124 = tpu.memref_slice %arg9[%dma_start3A_122, %dma_start3A_123] : memref<10240x128xf32, #tpu.memory_space<vmem_shared>> -> memref<10240x128xf32, #tpu.memory_space<vmem_shared>>
          tpu.enqueue_indirect_dma source(%arg8 : memref<128x128xf32, #tpu.memory_space<vmem>>) target(%dma_start3A_124 : memref<10240x128xf32, #tpu.memory_space<vmem_shared>>) offsets(%dma_start3A_121 : memref<128xi32, #tpu.memory_space<vmem>>) semaphore(%run_scoped3A_120 : memref<!tpu.dma_semaphore, #tpu.memory_space<semaphore_mem>>) {add = true}
          %dma_wait3A_125 = tpu.memref_slice %arg6[%mul3A_119] : memref<2560xi32, #tpu.memory_space<vmem>> -> memref<128xi32, #tpu.memory_space<vmem>>
          %dma_wait3A_126 = arith.constant 0 : i32
          %dma_wait3A_127 = arith.constant 0 : i32
          %dma_wait3A_128 = tpu.memref_slice %arg9[%dma_wait3A_126, %dma_wait3A_127] : memref<10240x128xf32, #tpu.memory_space<vmem_shared>> -> memref<10240x128xf32, #tpu.memory_space<vmem_shared>>
          tpu.wait_indirect_dma semaphore(%run_scoped3A_120 : memref<!tpu.dma_semaphore, #tpu.memory_space<semaphore_mem>>) src(%arg8 : memref<128x128xf32, #tpu.memory_space<vmem>>) dst(%dma_wait3A_128 : memref<10240x128xf32, #tpu.memory_space<vmem_shared>>)
          tpu.yield
        }) : () -> ()
      }
      %scan3A_89 = arith.constant 10 : i32
    }
    %while3A_67 = arith.constant 1 : i32
    scf.for %while3A_71 = %while3A_65 to %while3A_61 step %while3A_67  : i32 {
      %add3A_72 = arith.addi %select_n3A, %while3A_71 : i32
      %mul3A_73 = arith.constant 2560 : i32
      %mul3A_74 = arith.muli %add3A_72, %mul3A_73 : i32
      %run_scoped3A = arith.constant 0 : i32
      %run_scoped3A_75 = arith.constant 0 : i32
      "tpu.region"() ({
        %run_scoped3A_90 = tpu.sem_alloc : memref<!tpu.dma_semaphore, #tpu.memory_space<semaphore_mem>>
        %dma_start3A_91 = tpu.memref_slice %arg3[%run_scoped3A, %run_scoped3A_75, %mul3A_74] : memref<2x1x320000xi32, #tpu.memory_space<hbm>> -> memref<1x1x2560xi32, #tpu.memory_space<hbm>>
        %dma_start3A_92 = tpu.memref_squeeze %dma_start3A_91 : memref<1x1x2560xi32, #tpu.memory_space<hbm>> -> memref<2560xi32, #tpu.memory_space<hbm>>
        %dma_start3A_93 = tpu.memref_slice %arg3[%run_scoped3A, %run_scoped3A_75, %mul3A_74] : memref<2x1x320000xi32, #tpu.memory_space<hbm>> -> memref<1x1x2560xi32, #tpu.memory_space<hbm>>
        %dma_start3A_94 = tpu.memref_squeeze %dma_start3A_93 : memref<1x1x2560xi32, #tpu.memory_space<hbm>> -> memref<2560xi32, #tpu.memory_space<hbm>>
        tpu.enqueue_dma source(%dma_start3A_94 : memref<2560xi32, #tpu.memory_space<hbm>>) target(%arg5 : memref<2560xi32, #tpu.memory_space<vmem>>) target_semaphore(%run_scoped3A_90 : memref<!tpu.dma_semaphore, #tpu.memory_space<semaphore_mem>>)
        %dma_wait3A = tpu.memref_slice %arg3[%run_scoped3A, %run_scoped3A_75, %mul3A_74] : memref<2x1x320000xi32, #tpu.memory_space<hbm>> -> memref<1x1x2560xi32, #tpu.memory_space<hbm>>
        %dma_wait3A_95 = tpu.memref_squeeze %dma_wait3A : memref<1x1x2560xi32, #tpu.memory_space<hbm>> -> memref<2560xi32, #tpu.memory_space<hbm>>
        %dma_wait3A_96 = tpu.memref_slice %arg3[%run_scoped3A, %run_scoped3A_75, %mul3A_74] : memref<2x1x320000xi32, #tpu.memory_space<hbm>> -> memref<1x1x2560xi32, #tpu.memory_space<hbm>>
        %dma_wait3A_97 = tpu.memref_squeeze %dma_wait3A_96 : memref<1x1x2560xi32, #tpu.memory_space<hbm>> -> memref<2560xi32, #tpu.memory_space<hbm>>
        tpu.wait_dma2 semaphore(%run_scoped3A_90 : memref<!tpu.dma_semaphore, #tpu.memory_space<semaphore_mem>>) src(%dma_wait3A_97 : memref<2560xi32, #tpu.memory_space<hbm>>) dst(%arg5 : memref<2560xi32, #tpu.memory_space<vmem>>)
        tpu.yield
      }) : () -> ()
      %mul3A_76 = arith.constant 2560 : i32
      %mul3A_77 = arith.muli %add3A_72, %mul3A_76 : i32
      %run_scoped3A_78 = arith.constant 1 : i32
      %run_scoped3A_79 = arith.constant 0 : i32
      "tpu.region"() ({
        %run_scoped3A_90 = tpu.sem_alloc : memref<!tpu.dma_semaphore, #tpu.memory_space<semaphore_mem>>
        %dma_start3A_91 = tpu.memref_slice %arg3[%run_scoped3A_78, %run_scoped3A_79, %mul3A_77] : memref<2x1x320000xi32, #tpu.memory_space<hbm>> -> memref<1x1x2560xi32, #tpu.memory_space<hbm>>
        %dma_start3A_92 = tpu.memref_squeeze %dma_start3A_91 : memref<1x1x2560xi32, #tpu.memory_space<hbm>> -> memref<2560xi32, #tpu.memory_space<hbm>>
        %dma_start3A_93 = tpu.memref_slice %arg3[%run_scoped3A_78, %run_scoped3A_79, %mul3A_77] : memref<2x1x320000xi32, #tpu.memory_space<hbm>> -> memref<1x1x2560xi32, #tpu.memory_space<hbm>>
        %dma_start3A_94 = tpu.memref_squeeze %dma_start3A_93 : memref<1x1x2560xi32, #tpu.memory_space<hbm>> -> memref<2560xi32, #tpu.memory_space<hbm>>
        tpu.enqueue_dma source(%dma_start3A_94 : memref<2560xi32, #tpu.memory_space<hbm>>) target(%arg6 : memref<2560xi32, #tpu.memory_space<vmem>>) target_semaphore(%run_scoped3A_90 : memref<!tpu.dma_semaphore, #tpu.memory_space<semaphore_mem>>)
        %dma_wait3A = tpu.memref_slice %arg3[%run_scoped3A_78, %run_scoped3A_79, %mul3A_77] : memref<2x1x320000xi32, #tpu.memory_space<hbm>> -> memref<1x1x2560xi32, #tpu.memory_space<hbm>>
        %dma_wait3A_95 = tpu.memref_squeeze %dma_wait3A : memref<1x1x2560xi32, #tpu.memory_space<hbm>> -> memref<2560xi32, #tpu.memory_space<hbm>>
        %dma_wait3A_96 = tpu.memref_slice %arg3[%run_scoped3A_78, %run_scoped3A_79, %mul3A_77] : memref<2x1x320000xi32, #tpu.memory_space<hbm>> -> memref<1x1x2560xi32, #tpu.memory_space<hbm>>
        %dma_wait3A_97 = tpu.memref_squeeze %dma_wait3A_96 : memref<1x1x2560xi32, #tpu.memory_space<hbm>> -> memref<2560xi32, #tpu.memory_space<hbm>>
        tpu.wait_dma2 semaphore(%run_scoped3A_90 : memref<!tpu.dma_semaphore, #tpu.memory_space<semaphore_mem>>) src(%dma_wait3A_97 : memref<2560xi32, #tpu.memory_space<hbm>>) dst(%arg6 : memref<2560xi32, #tpu.memory_space<vmem>>)
        tpu.yield
      }) : () -> ()
      %dma_start3A = arith.constant 0 : i32
      %dma_start3A_80 = tpu.memref_slice %arg5[%dma_start3A] : memref<2560xi32, #tpu.memory_space<vmem>> -> memref<128xi32, #tpu.memory_space<vmem>>
      %dma_start3A_81 = arith.constant 0 : i32
      %dma_start3A_82 = arith.constant 0 : i32
      %dma_start3A_83 = tpu.memref_slice %arg2[%dma_start3A_81, %dma_start3A_82] : memref<10000x128xf32, #tpu.memory_space<hbm>> -> memref<10000x128xf32, #tpu.memory_space<hbm>>
      tpu.enqueue_indirect_dma source(%dma_start3A_83 : memref<10000x128xf32, #tpu.memory_space<hbm>>) target(%arg7 : memref<128x128xf32, #tpu.memory_space<vmem>>) offsets(%dma_start3A_80 : memref<128xi32, #tpu.memory_space<vmem>>) semaphore(%arg10 : memref<!tpu.dma_semaphore, #tpu.memory_space<semaphore_mem>>)
      %scan3A_84 = arith.constant 0 : i32
      %scan3A_85 = arith.constant 0 : i32
      %scan3A_86 = arith.constant 10 : i32
      %scan3A_87 = arith.addi %scan3A_85, %scan3A_86 : i32
      %scan3A_88 = arith.constant 1 : i32
      scf.for %scan3A_90 = %scan3A_85 to %scan3A_87 step %scan3A_88  : i32 {
        %mul3A_91 = arith.constant 2 : i32
        %mul3A_92 = arith.muli %mul3A_91, %scan3A_90 : i32
        %add3A_93 = arith.constant 1 : i32
        %add3A_94 = arith.addi %mul3A_92, %add3A_93 : i32
        %mul3A_95 = arith.constant 128 : i32
        %mul3A_96 = arith.muli %add3A_94, %mul3A_95 : i32
        %dma_start3A_97 = tpu.memref_slice %arg5[%mul3A_96] : memref<2560xi32, #tpu.memory_space<vmem>> -> memref<128xi32, #tpu.memory_space<vmem>>
        %dma_start3A_98 = arith.constant 0 : i32
        %dma_start3A_99 = arith.constant 0 : i32
        %dma_start3A_100 = tpu.memref_slice %arg2[%dma_start3A_98, %dma_start3A_99] : memref<10000x128xf32, #tpu.memory_space<hbm>> -> memref<10000x128xf32, #tpu.memory_space<hbm>>
        tpu.enqueue_indirect_dma source(%dma_start3A_100 : memref<10000x128xf32, #tpu.memory_space<hbm>>) target(%arg8 : memref<128x128xf32, #tpu.memory_space<vmem>>) offsets(%dma_start3A_97 : memref<128xi32, #tpu.memory_space<vmem>>) semaphore(%arg11 : memref<!tpu.dma_semaphore, #tpu.memory_space<semaphore_mem>>)
        %dma_wait3A = arith.constant 0 : i32
        %dma_wait3A_101 = tpu.memref_slice %arg5[%dma_wait3A] : memref<2560xi32, #tpu.memory_space<vmem>> -> memref<128xi32, #tpu.memory_space<vmem>>
        %dma_wait3A_102 = arith.constant 0 : i32
        %dma_wait3A_103 = arith.constant 0 : i32
        %dma_wait3A_104 = tpu.memref_slice %arg2[%dma_wait3A_102, %dma_wait3A_103] : memref<10000x128xf32, #tpu.memory_space<hbm>> -> memref<10000x128xf32, #tpu.memory_space<hbm>>
        tpu.wait_indirect_dma semaphore(%arg10 : memref<!tpu.dma_semaphore, #tpu.memory_space<semaphore_mem>>) src(%dma_wait3A_104 : memref<10000x128xf32, #tpu.memory_space<hbm>>) dst(%arg7 : memref<128x128xf32, #tpu.memory_space<vmem>>)
        %mul3A_105 = arith.constant 128 : i32
        %mul3A_106 = arith.muli %mul3A_92, %mul3A_105 : i32
        "tpu.region"() ({
          %run_scoped3A_120 = tpu.sem_alloc : memref<!tpu.dma_semaphore, #tpu.memory_space<semaphore_mem>>
          %dma_start3A_121 = tpu.memref_slice %arg6[%mul3A_106] : memref<2560xi32, #tpu.memory_space<vmem>> -> memref<128xi32, #tpu.memory_space<vmem>>
          %dma_start3A_122 = arith.constant 0 : i32
          %dma_start3A_123 = arith.constant 0 : i32
          %dma_start3A_124 = tpu.memref_slice %arg9[%dma_start3A_122, %dma_start3A_123] : memref<10240x128xf32, #tpu.memory_space<vmem_shared>> -> memref<10240x128xf32, #tpu.memory_space<vmem_shared>>
          tpu.enqueue_indirect_dma source(%arg7 : memref<128x128xf32, #tpu.memory_space<vmem>>) target(%dma_start3A_124 : memref<10240x128xf32, #tpu.memory_space<vmem_shared>>) offsets(%dma_start3A_121 : memref<128xi32, #tpu.memory_space<vmem>>) semaphore(%run_scoped3A_120 : memref<!tpu.dma_semaphore, #tpu.memory_space<semaphore_mem>>) {add = true}
          %dma_wait3A_125 = tpu.memref_slice %arg6[%mul3A_106] : memref<2560xi32, #tpu.memory_space<vmem>> -> memref<128xi32, #tpu.memory_space<vmem>>
          %dma_wait3A_126 = arith.constant 0 : i32
          %dma_wait3A_127 = arith.constant 0 : i32
          %dma_wait3A_128 = tpu.memref_slice %arg9[%dma_wait3A_126, %dma_wait3A_127] : memref<10240x128xf32, #tpu.memory_space<vmem_shared>> -> memref<10240x128xf32, #tpu.memory_space<vmem_shared>>
          tpu.wait_indirect_dma semaphore(%run_scoped3A_120 : memref<!tpu.dma_semaphore, #tpu.memory_space<semaphore_mem>>) src(%arg7 : memref<128x128xf32, #tpu.memory_space<vmem>>) dst(%dma_wait3A_128 : memref<10240x128xf32, #tpu.memory_space<vmem_shared>>)
          tpu.yield
        }) : () -> ()
        %add3A_107 = arith.constant 2 : i32
        %add3A_108 = arith.addi %mul3A_92, %add3A_107 : i32
        %lt3A = arith.constant 20 : i32
        %lt3A_109 = arith.cmpi slt, %add3A_108, %lt3A : i32
        %convert_element_type3A = arith.extui %lt3A_109 : i1 to i32
        %cond3A = arith.constant 0 : i32
        %cond3A_110 = arith.cmpi ne, %convert_element_type3A, %cond3A : i32
        scf.if %cond3A_110 {
          %add3A_120 = arith.constant 2 : i32
          %add3A_121 = arith.addi %mul3A_92, %add3A_120 : i32
          %mul3A_122 = arith.constant 128 : i32
          %mul3A_123 = arith.muli %add3A_121, %mul3A_122 : i32
          %dma_start3A_124 = tpu.memref_slice %arg5[%mul3A_123] : memref<2560xi32, #tpu.memory_space<vmem>> -> memref<128xi32, #tpu.memory_space<vmem>>
          %dma_start3A_125 = arith.constant 0 : i32
          %dma_start3A_126 = arith.constant 0 : i32
          %dma_start3A_127 = tpu.memref_slice %arg2[%dma_start3A_125, %dma_start3A_126] : memref<10000x128xf32, #tpu.memory_space<hbm>> -> memref<10000x128xf32, #tpu.memory_space<hbm>>
          tpu.enqueue_indirect_dma source(%dma_start3A_127 : memref<10000x128xf32, #tpu.memory_space<hbm>>) target(%arg7 : memref<128x128xf32, #tpu.memory_space<vmem>>) offsets(%dma_start3A_124 : memref<128xi32, #tpu.memory_space<vmem>>) semaphore(%arg10 : memref<!tpu.dma_semaphore, #tpu.memory_space<semaphore_mem>>)
        } else {
        }
        %dma_wait3A_111 = arith.constant 0 : i32
        %dma_wait3A_112 = tpu.memref_slice %arg5[%dma_wait3A_111] : memref<2560xi32, #tpu.memory_space<vmem>> -> memref<128xi32, #tpu.memory_space<vmem>>
        %dma_wait3A_113 = arith.constant 0 : i32
        %dma_wait3A_114 = arith.constant 0 : i32
        %dma_wait3A_115 = tpu.memref_slice %arg2[%dma_wait3A_113, %dma_wait3A_114] : memref<10000x128xf32, #tpu.memory_space<hbm>> -> memref<10000x128xf32, #tpu.memory_space<hbm>>
        tpu.wait_indirect_dma semaphore(%arg11 : memref<!tpu.dma_semaphore, #tpu.memory_space<semaphore_mem>>) src(%dma_wait3A_115 : memref<10000x128xf32, #tpu.memory_space<hbm>>) dst(%arg8 : memref<128x128xf32, #tpu.memory_space<vmem>>)
        %add3A_116 = arith.constant 1 : i32
        %add3A_117 = arith.addi %mul3A_92, %add3A_116 : i32
        %mul3A_118 = arith.constant 128 : i32
        %mul3A_119 = arith.muli %add3A_117, %mul3A_118 : i32
        "tpu.region"() ({
          %run_scoped3A_120 = tpu.sem_alloc : memref<!tpu.dma_semaphore, #tpu.memory_space<semaphore_mem>>
          %dma_start3A_121 = tpu.memref_slice %arg6[%mul3A_119] : memref<2560xi32, #tpu.memory_space<vmem>> -> memref<128xi32, #tpu.memory_space<vmem>>
          %dma_start3A_122 = arith.constant 0 : i32
          %dma_start3A_123 = arith.constant 0 : i32
          %dma_start3A_124 = tpu.memref_slice %arg9[%dma_start3A_122, %dma_start3A_123] : memref<10240x128xf32, #tpu.memory_space<vmem_shared>> -> memref<10240x128xf32, #tpu.memory_space<vmem_shared>>
          tpu.enqueue_indirect_dma source(%arg8 : memref<128x128xf32, #tpu.memory_space<vmem>>) target(%dma_start3A_124 : memref<10240x128xf32, #tpu.memory_space<vmem_shared>>) offsets(%dma_start3A_121 : memref<128xi32, #tpu.memory_space<vmem>>) semaphore(%run_scoped3A_120 : memref<!tpu.dma_semaphore, #tpu.memory_space<semaphore_mem>>) {add = true}
          %dma_wait3A_125 = tpu.memref_slice %arg6[%mul3A_119] : memref<2560xi32, #tpu.memory_space<vmem>> -> memref<128xi32, #tpu.memory_space<vmem>>
          %dma_wait3A_126 = arith.constant 0 : i32
          %dma_wait3A_127 = arith.constant 0 : i32
          %dma_wait3A_128 = tpu.memref_slice %arg9[%dma_wait3A_126, %dma_wait3A_127] : memref<10240x128xf32, #tpu.memory_space<vmem_shared>> -> memref<10240x128xf32, #tpu.memory_space<vmem_shared>>
          tpu.wait_indirect_dma semaphore(%run_scoped3A_120 : memref<!tpu.dma_semaphore, #tpu.memory_space<semaphore_mem>>) src(%arg8 : memref<128x128xf32, #tpu.memory_space<vmem>>) dst(%dma_wait3A_128 : memref<10240x128xf32, #tpu.memory_space<vmem_shared>>)
          tpu.yield
        }) : () -> ()
      }
      %scan3A_89 = arith.constant 10 : i32
    }
    %barrier3A_68 = arith.constant 0 : index
    tpu.barrier barrier_id(%barrier3A_68)
    %mul3A_69 = arith.constant 640 : i32
    %mul3A_70 = arith.muli %arg1, %mul3A_69 : i32
    "tpu.region"() ({
      %run_scoped3A = tpu.sem_alloc : memref<!tpu.dma_semaphore, #tpu.memory_space<semaphore_mem>>
      %dma_start3A = arith.constant 0 : i32
      %dma_start3A_71 = tpu.memref_slice %arg4[%arg0, %mul3A_70, %dma_start3A] : memref<2x10240x128xf32, #tpu.memory_space<hbm>> -> memref<1x640x128xf32, #tpu.memory_space<hbm>>
      %dma_start3A_72 = tpu.memref_squeeze %dma_start3A_71 : memref<1x640x128xf32, #tpu.memory_space<hbm>> -> memref<640x128xf32, #tpu.memory_space<hbm>>
      %dma_start3A_73 = arith.constant 0 : i32
      %dma_start3A_74 = tpu.memref_slice %arg9[%mul3A_70, %dma_start3A_73] : memref<10240x128xf32, #tpu.memory_space<vmem_shared>> -> memref<640x128xf32, #tpu.memory_space<vmem_shared>>
      tpu.enqueue_dma source(%dma_start3A_74 : memref<640x128xf32, #tpu.memory_space<vmem_shared>>) target(%dma_start3A_72 : memref<640x128xf32, #tpu.memory_space<hbm>>) target_semaphore(%run_scoped3A : memref<!tpu.dma_semaphore, #tpu.memory_space<semaphore_mem>>)
      %dma_wait3A = arith.constant 0 : i32
      %dma_wait3A_75 = tpu.memref_slice %arg4[%arg0, %mul3A_70, %dma_wait3A] : memref<2x10240x128xf32, #tpu.memory_space<hbm>> -> memref<1x640x128xf32, #tpu.memory_space<hbm>>
      %dma_wait3A_76 = tpu.memref_squeeze %dma_wait3A_75 : memref<1x640x128xf32, #tpu.memory_space<hbm>> -> memref<640x128xf32, #tpu.memory_space<hbm>>
      %dma_wait3A_77 = arith.constant 0 : i32
      %dma_wait3A_78 = tpu.memref_slice %arg9[%mul3A_70, %dma_wait3A_77] : memref<10240x128xf32, #tpu.memory_space<vmem_shared>> -> memref<640x128xf32, #tpu.memory_space<vmem_shared>>
      tpu.wait_dma2 semaphore(%run_scoped3A : memref<!tpu.dma_semaphore, #tpu.memory_space<semaphore_mem>>) src(%dma_wait3A_78 : memref<640x128xf32, #tpu.memory_space<vmem_shared>>) dst(%dma_wait3A_76 : memref<640x128xf32, #tpu.memory_space<hbm>>)
      tpu.yield
    }) : () -> ()
    return
  }
}

module attributes {stable_mosaic.version = 14 : i64} {
  func.func @_scale_body(%arg0: i32, %arg1: memref<1000x128xf32, #tpu.memory_space<vmem>>, %arg2: memref<1000x1xf32, #tpu.memory_space<vmem>>, %arg3: memref<1000x128xf32, #tpu.memory_space<vmem>>) attributes {dimension_semantics = [#tpu.dimension_semantics<arbitrary>], iteration_bounds = array<i64: 10>, scalar_prefetch = 0 : i64, scratch_operands = 0 : i64, tpu.core_type = #tpu.core_type<tc>, window_params = [{transform_indices = @transform_0, window_bounds = array<i64: 1000, 128>}, {transform_indices = @transform_1, window_bounds = array<i64: 1000, 1>}, {transform_indices = @transform_2, window_bounds = array<i64: 1000, 128>}]} {
    %get3A = arith.constant 0 : index
    %get3A_0 = arith.constant 0 : index
    %get3A_1 = vector.load %arg1[%get3A, %get3A_0] : memref<1000x128xf32, #tpu.memory_space<vmem>>, vector<1000x128xf32>
    %get3A_2 = arith.constant 0 : index
    %get3A_3 = arith.constant 0 : index
    %get3A_4 = vector.load %arg2[%get3A_2, %get3A_3] : memref<1000x1xf32, #tpu.memory_space<vmem>>, vector<1000x1xf32>
    %max3A = arith.constant 1.000000e+00 : f32
    %max3A_5 = vector.broadcast %max3A : f32 to vector<1000x1xf32>
    %max3A_6 = arith.maximumf %get3A_4, %max3A_5 : vector<1000x1xf32>
    %rsqrt3A = math.rsqrt %max3A_6 : vector<1000x1xf32>
    %mul3A = vector.broadcast %rsqrt3A : vector<1000x1xf32> to vector<1000x128xf32>
    %mul3A_7 = arith.mulf %get3A_1, %mul3A : vector<1000x128xf32>
    %swap3A = arith.constant 0 : index
    %swap3A_8 = arith.constant 0 : index
    %swap3A_9 = vector.load %arg3[%swap3A, %swap3A_8] : memref<1000x128xf32, #tpu.memory_space<vmem>>, vector<1000x128xf32>
    tpu.vector_store %arg3[%swap3A, %swap3A_8], %mul3A_7 {strides = array<i32>} : memref<1000x128xf32, #tpu.memory_space<vmem>>, vector<1000x128xf32>,
    return
  }
  func.func @transform_0(%arg0: i32) -> (i32, i32) {
    %c0_i32 = arith.constant 0 : i32
    %c0_i32_0 = arith.constant 0 : i32
    return %arg0, %c0_i32 : i32, i32
  }
  func.func @transform_1(%arg0: i32) -> (i32, i32) {
    %c0_i32 = arith.constant 0 : i32
    %c0_i32_0 = arith.constant 0 : i32
    return %arg0, %c0_i32 : i32, i32
  }
  func.func @transform_2(%arg0: i32) -> (i32, i32) {
    %c0_i32 = arith.constant 0 : i32
    %c0_i32_0 = arith.constant 0 : i32
    return %arg0, %c0_i32 : i32, i32
  }
}

module attributes {stable_mosaic.version = 14 : i64} {
  func.func @_head_body(%arg0: i32, %arg1: memref<2x1000x128xf32, #tpu.memory_space<vmem>>, %arg2: memref<1000x1xf32, #tpu.memory_space<vmem>>, %arg3: memref<128x128xf32, #tpu.memory_space<vmem>>, %arg4: memref<1x128xf32, #tpu.memory_space<vmem>>, %arg5: memref<128x40xf32, #tpu.memory_space<vmem>>, %arg6: memref<1x40xf32, #tpu.memory_space<vmem>>, %arg7: memref<1000x40xf32, #tpu.memory_space<vmem>>) attributes {dimension_semantics = [#tpu.dimension_semantics<arbitrary>], iteration_bounds = array<i64: 10>, scalar_prefetch = 0 : i64, scratch_operands = 0 : i64, tpu.core_type = #tpu.core_type<tc>, window_params = [{transform_indices = @transform_0, window_bounds = array<i64: 2, 1000, 128>}, {transform_indices = @transform_1, window_bounds = array<i64: 1000, 1>}, {pipeline_mode = #tpu.pipeline_mode<synchronous>, transform_indices = @transform_2, window_bounds = array<i64: 128, 128>}, {pipeline_mode = #tpu.pipeline_mode<synchronous>, transform_indices = @transform_3, window_bounds = array<i64: 1, 128>}, {pipeline_mode = #tpu.pipeline_mode<synchronous>, transform_indices = @transform_4, window_bounds = array<i64: 128, 40>}, {pipeline_mode = #tpu.pipeline_mode<synchronous>, transform_indices = @transform_5, window_bounds = array<i64: 1, 40>}, {transform_indices = @transform_6, window_bounds = array<i64: 1000, 40>}]} {
    %get3A = arith.constant 0 : index
    %get3A_0 = arith.constant 0 : index
    %get3A_1 = arith.constant 0 : index
    %get3A_2 = vector.load %arg1[%get3A, %get3A_0, %get3A_1] : memref<2x1000x128xf32, #tpu.memory_space<vmem>>, vector<1x1000x128xf32>
    %get3A_3 = vector.shape_cast %get3A_2 : vector<1x1000x128xf32> to vector<1000x128xf32>
    %get3A_4 = arith.constant 1 : index
    %get3A_5 = arith.constant 0 : index
    %get3A_6 = arith.constant 0 : index
    %get3A_7 = vector.load %arg1[%get3A_4, %get3A_5, %get3A_6] : memref<2x1000x128xf32, #tpu.memory_space<vmem>>, vector<1x1000x128xf32>
    %get3A_8 = vector.shape_cast %get3A_7 : vector<1x1000x128xf32> to vector<1000x128xf32>
    %add3A = arith.addf %get3A_3, %get3A_8 : vector<1000x128xf32>
    %get3A_9 = arith.constant 0 : index
    %get3A_10 = arith.constant 0 : index
    %get3A_11 = vector.load %arg2[%get3A_9, %get3A_10] : memref<1000x1xf32, #tpu.memory_space<vmem>>, vector<1000x1xf32>
    %max3A = arith.constant 1.000000e+00 : f32
    %max3A_12 = vector.broadcast %max3A : f32 to vector<1000x1xf32>
    %max3A_13 = arith.maximumf %get3A_11, %max3A_12 : vector<1000x1xf32>
    %rsqrt3A = math.rsqrt %max3A_13 : vector<1000x1xf32>
    %mul3A = vector.broadcast %rsqrt3A : vector<1000x1xf32> to vector<1000x128xf32>
    %mul3A_14 = arith.mulf %add3A, %mul3A : vector<1000x128xf32>
    %get3A_15 = arith.constant 0 : index
    %get3A_16 = arith.constant 0 : index
    %get3A_17 = vector.load %arg3[%get3A_15, %get3A_16] : memref<128x128xf32, #tpu.memory_space<vmem>>, vector<128x128xf32>
    %dot_general3A = arith.constant dense<0.000000e+00> : vector<1000x128xf32>
    %dot_general3A_18 = tpu.matmul %mul3A_14, %get3A_17, %dot_general3A {dimension_numbers = #tpu.dot_dimension_numbers<[1], [0], [0], [1], [0, 0, 1, 1], [], []>, transpose_lhs_hint = false} : vector<1000x128xf32>, vector<128x128xf32>, vector<1000x128xf32> -> vector<1000x128xf32>
    %get3A_19 = arith.constant 0 : index
    %get3A_20 = arith.constant 0 : index
    %get3A_21 = vector.load %arg4[%get3A_19, %get3A_20] : memref<1x128xf32, #tpu.memory_space<vmem>>, vector<1x128xf32>
    %add3A_22 = vector.broadcast %get3A_21 : vector<1x128xf32> to vector<1000x128xf32>
    %add3A_23 = arith.addf %dot_general3A_18, %add3A_22 : vector<1000x128xf32>
    %max3A_24 = arith.constant 0.000000e+00 : f32
    %max3A_25 = vector.broadcast %max3A_24 : f32 to vector<1000x128xf32>
    %max3A_26 = arith.maximumf %add3A_23, %max3A_25 : vector<1000x128xf32>
    %get3A_27 = arith.constant 0 : index
    %get3A_28 = arith.constant 0 : index
    %get3A_29 = vector.load %arg5[%get3A_27, %get3A_28] : memref<128x40xf32, #tpu.memory_space<vmem>>, vector<128x40xf32>
    %dot_general3A_30 = arith.constant dense<0.000000e+00> : vector<1000x40xf32>
    %dot_general3A_31 = tpu.matmul %max3A_26, %get3A_29, %dot_general3A_30 {dimension_numbers = #tpu.dot_dimension_numbers<[1], [0], [0], [1], [0, 0, 1, 1], [], []>, transpose_lhs_hint = false} : vector<1000x128xf32>, vector<128x40xf32>, vector<1000x40xf32> -> vector<1000x40xf32>
    %get3A_32 = arith.constant 0 : index
    %get3A_33 = arith.constant 0 : index
    %get3A_34 = vector.load %arg6[%get3A_32, %get3A_33] : memref<1x40xf32, #tpu.memory_space<vmem>>, vector<1x40xf32>
    %add3A_35 = vector.broadcast %get3A_34 : vector<1x40xf32> to vector<1000x40xf32>
    %add3A_36 = arith.addf %dot_general3A_31, %add3A_35 : vector<1000x40xf32>
    %swap3A = arith.constant 0 : index
    %swap3A_37 = arith.constant 0 : index
    %swap3A_38 = vector.load %arg7[%swap3A, %swap3A_37] : memref<1000x40xf32, #tpu.memory_space<vmem>>, vector<1000x40xf32>
    tpu.vector_store %arg7[%swap3A, %swap3A_37], %add3A_36 {strides = array<i32>} : memref<1000x40xf32, #tpu.memory_space<vmem>>, vector<1000x40xf32>,
    return
  }
  func.func @transform_0(%arg0: i32) -> (i32, i32, i32) {
    %c0_i32 = arith.constant 0 : i32
    %c0_i32_0 = arith.constant 0 : i32
    %c0_i32_1 = arith.constant 0 : i32
    return %c0_i32, %arg0, %c0_i32_0 : i32, i32, i32
  }
  func.func @transform_1(%arg0: i32) -> (i32, i32) {
    %c0_i32 = arith.constant 0 : i32
    %c0_i32_0 = arith.constant 0 : i32
    return %arg0, %c0_i32 : i32, i32
  }
  func.func @transform_2(%arg0: i32) -> (i32, i32) {
    %c0_i32 = arith.constant 0 : i32
    %c0_i32_0 = arith.constant 0 : i32
    %c0_i32_1 = arith.constant 0 : i32
    return %c0_i32, %c0_i32_0 : i32, i32
  }
  func.func @transform_3(%arg0: i32) -> (i32, i32) {
    %c0_i32 = arith.constant 0 : i32
    %c0_i32_0 = arith.constant 0 : i32
    %c0_i32_1 = arith.constant 0 : i32
    return %c0_i32, %c0_i32_0 : i32, i32
  }
  func.func @transform_4(%arg0: i32) -> (i32, i32) {
    %c0_i32 = arith.constant 0 : i32
    %c0_i32_0 = arith.constant 0 : i32
    %c0_i32_1 = arith.constant 0 : i32
    return %c0_i32, %c0_i32_0 : i32, i32
  }
  func.func @transform_5(%arg0: i32) -> (i32, i32) {
    %c0_i32 = arith.constant 0 : i32
    %c0_i32_0 = arith.constant 0 : i32
    %c0_i32_1 = arith.constant 0 : i32
    return %c0_i32, %c0_i32_0 : i32, i32
  }
  func.func @transform_6(%arg0: i32) -> (i32, i32) {
    %c0_i32 = arith.constant 0 : i32
    %c0_i32_0 = arith.constant 0 : i32
    return %arg0, %c0_i32 : i32, i32
  }
}

</mosaic_0001>

<sc_bundles>
// kernel: kernel.6.cloned.1.call-start
scs
__scs_entry_jumppad:
0x0: {  	(pc) =	sbr.rel $0x88, $3  }
0x1: {  	(tag) =	ssettag $0x0;
	lr =	simm.s32 $0x1  }
0x2: {  	[smem:$0x3F9B] =	sst lr;
	_ =	strace $0xD0000000  }
0x3: {  	_ = 	snop  }
0x4: {  	_ = 	snop  }
0x5: {  	_ = 	snop  }
0x6: {  	_ = 	snop  }
0x7: {  	_ = 	snop  }
__scs_overlays_trampoline_lowered:
0x8: {  	[smem:$0x3FAA] =	sst s0  }
0x9: {  	[smem:$0x3FAB] =	sst s1  }
0xa: {  	[smem:$0x3FAC] =	sst s2  }
0xb: {  	[smem:$0x3FAD] =	sst s3  }
0xc: {  	[smem:$0x3FAE] =	sst s4  }
0xd: {  	[smem:$0x3FAF] =	sst s5  }
0xe: {  	[smem:$0x3FB0] =	sst s6  }
0xf: {  	[smem:$0x3FB1] =	sst s7  }
0x10: {  	[smem:$0x3FB2] =	sst s8  }
0x11: {  	[smem:$0x3FB3] =	sst s9;
	s0 =	simm.s32 @!p0 $0x0  }
0x12: {  	s1 =	sld [smem:$0x3F99];
	s0 =	simm.s32 @p0 $0x1  }
0x13: {  	[smem:$0x3FB4] =	sst s0;
	s0 =	simm.s32 @!p1 $0x0  }
0x14: {  	s2 =	sld [smem:$0x3F98];
	s0 =	simm.s32 @p1 $0x1  }
0x15: {  	[smem:$0x3FB5] =	sst s0;
	s0 =	simm.s32 @!p2 $0x0  }
0x16: {  	s3 =	sld [smem:$0x3FDB];
	s0 =	simm.s32 @p2 $0x1  }
0x17: {  	s4 =	simm.s32 $0x1BF5;
	[smem:$0x3FB7] =	sst s0  }
0x18: {  	s0 =	sld [smem:$0x3F9A];
	_ =	swait.ge [sflag:s4], $0x0  }
0x19: {  	s7 =	sld [smem:$0x3F9B]  }
0x1a: {  	s8 =	sadd.s32 $0xFFFFE003, lr  }
0x1b: {  	s9 =	sadd.s32 $0xFFFFFEF7, lr;
	s5 =	simm.s32 $0xFFFFFFFF;
	p2 =	slt.u32 s8, $0xFFFFF086  }
0x1c: {  	p1 =	slt.u32 s9, $0xF7A;
	s5 =	simm.s32 @!p2 $0x0  }
0x1d: {  	s5 =	simm.s32 @p1 $0x1;
	p0 =	seq.s32 s7, s2  }
0x1e: {  	s7 =	smul.u32 @!p0 $0xF7A, s2;
	p2 =	seq.s32 @!p0 s5, $0x0  }
0x1f: {  	s9 =	smul.u32 $0xF7A, s1;
	s8 =	simm.s32 @!p0 $0x1BF5;
	p2 =	por !p2, p0  }
0x20: {  	[sflag:s8] =	ssyncset.s32 @!p0 $0xFFFFF086;
	s6 =	sadd.s32 @!p0 s3, s7;
	s7 =	simm.s32 @!p0 $0x108  }
0x21: {  	s3 =	sadd.s32 s3, s9;
	s6 =	sadd.s32 @!p0 $0x88, s6;
	s7 =	simm.s32 @p2 $0x1082  }
0x22: {  	[simem:s7], [sflag:s8] =	dma.local @!p0 [hbm:s6], $0xF7A  }
0x23: {  	s9 =	sor.u32 $0xD0000000, s2;
	s6 =	simm.s32 $0x108;
	_ =	swait.ge @!p0 [sflag:s8], $0x0  }
0x24: {  	s3 =	sadd.s32 $0x88, s3;
	s6 =	simm.s32 @!p1 $0x1082;
	[sflag:s4] =	ssyncset.s32 $0xFFFFF086  }
0x25: {  	[simem:s6], [sflag:s4] =	dma.local [hbm:s3], $0xF7A  }
0x26: {  	[smem:$0x3F9B] =	sst s1;
	(tag) =	ssettag s2;
	_ =	strace s9  }
0x27: {  	s1 =	sld [smem:$0x3FAB]  }
0x28: {  	s2 =	sld [smem:$0x3FAC]  }
0x29: {  	s4 =	sld [smem:$0x3FAE]  }
0x2a: {  	p0 =	seq.s32 s5, $0x0;
	s5 =	sld [smem:$0x3FAF]  }
0x2b: {  	s6 =	sld [smem:$0x3FB0]  }
0x2c: {  	s7 =	sld [smem:$0x3FB1]  }
0x2d: {  	s3 =	simm.s32 $0x108;
	s8 =	sld [smem:$0x3FB2]  }
0x2e: {  	s3 =	simm.s32 @!p0 $0x1082;
	s9 =	sld [smem:$0x3FB3]  }
0x2f: {  	lr =	sadd.s32 s0, s3;
	s0 =	sld [smem:$0x3FAA]  }
0x30: {  	s3 =	sld [smem:$0x3FAD]  }
0x31: {  	[smem:$0x3FB6] =	sst s10  }
0x32: {  	s10 =	sld [smem:$0x3FB4];
	_ =	sdelay $0x3  }
0x33: {  	p0 =	seq.s32 s10, $0x1;
	s10 =	sld [smem:$0x3FB6];
	_ =	sdelay $0x3  }
0x34: {  	[smem:$0x3FB6] =	sst s10  }
0x35: {  	s10 =	sld [smem:$0x3FB5];
	_ =	sdelay $0x3  }
0x36: {  	p1 =	seq.s32 s10, $0x1;
	s10 =	sld [smem:$0x3FB6];
	_ =	sdelay $0x3  }
0x37: {  	[smem:$0x3FB6] =	sst s10  }
0x38: {  	s10 =	sld [smem:$0x3FB7]  }
0x39: {  	_ = 	snop;
	(pc) =	sbr.ind lr, $3  }
0x3a: {  	_ = 	snop  }
0x3b: {  	_ = 	snop  }
0x3c: {  	p2 =	seq.s32 s10, $0x1;
	s10 =	sld [smem:$0x3FB6]  }
0x3d: {  	_ =	shalt  }
0x3e: {  	_ =	shalt  }
0x3f: {  	_ =	shalt  }
0x40: {  	_ =	shalt  }
0x41: {  	_ =	shalt  }
0x42: {  	_ =	shalt  }
0x43: {  	_ =	shalt  }
0x44: {  	_ =	shalt  }
0x45: {  	_ =	shalt  }
0x46: {  	_ =	shalt  }
0x47: {  	_ =	shalt  }
0x48: {  	_ =	shalt  }
0x49: {  	_ =	shalt  }
0x4a: {  	_ =	shalt  }
0x4b: {  	_ =	shalt  }
0x4c: {  	_ =	shalt  }
0x4d: {  	_ =	shalt  }
0x4e: {  	_ =	shalt  }
0x4f: {  	_ =	shalt  }
0x50: {  	_ =	shalt  }
0x51: {  	_ =	shalt  }
0x52: {  	_ =	shalt  }
0x53: {  	_ =	shalt  }
0x54: {  	_ =	shalt  }
0x55: {  	_ =	shalt  }
0x56: {  	_ =	shalt  }
0x57: {  	_ =	shalt  }
0x58: {  	_ =	shalt  }
0x59: {  	_ =	shalt  }
0x5a: {  	_ =	shalt  }
0x5b: {  	_ =	shalt  }
0x5c: {  	_ =	shalt  }
0x5d: {  	_ =	shalt  }
0x5e: {  	_ =	shalt  }
0x5f: {  	_ =	shalt  }
0x60: {  	_ =	shalt  }
0x61: {  	_ =	shalt  }
0x62: {  	_ =	shalt  }
0x63: {  	_ =	shalt  }
0x64: {  	_ =	shalt  }
0x65: {  	_ =	shalt  }
0x66: {  	_ =	shalt  }
0x67: {  	_ =	shalt  }
0x68: {  	_ =	shalt  }
0x69: {  	_ =	shalt  }
0x6a: {  	_ =	shalt  }
0x6b: {  	_ =	shalt  }
0x6c: {  	_ =	shalt  }
0x6d: {  	_ =	shalt  }
0x6e: {  	_ =	shalt  }
0x6f: {  	_ =	shalt  }
0x70: {  	_ =	shalt  }
0x71: {  	_ =	shalt  }
0x72: {  	_ =	shalt  }
0x73: {  	_ =	shalt  }
0x74: {  	_ =	shalt  }
0x75: {  	_ =	shalt  }
0x76: {  	_ =	shalt  }
0x77: {  	_ =	shalt  }
0x78: {  	_ =	shalt  }
0x79: {  	_ =	shalt  }
0x7a: {  	_ =	shalt  }
0x7b: {  	_ =	shalt  }
0x7c: {  	_ =	shalt  }
0x7d: {  	_ =	shalt  }
0x7e: {  	_ =	shalt  }
0x7f: {  	_ =	shalt  }
0x80: {  	_ =	shalt  }
0x81: {  	_ =	shalt  }
0x82: {  	_ =	shalt  }
0x83: {  	_ =	shalt  }
0x84: {  	_ =	shalt  }
0x85: {  	_ =	shalt  }
0x86: {  	_ =	shalt  }
0x87: {  	_ =	shalt  }
.Lfunc_end0:
.L_simem_size_0:
called_computation_lowered:
.L_overlay_start_0:
0x88: {  	s2 =	sld [smem:$0x3FD9]  }
0x89: {  	s3 =	sld [smem:$0x3FFE];
	_ =	sdelay $0x1  }
0x8a: {  	s1 =	srdreg.scid  }
0x8b: {  	s0 =	sand.u32 $0x1, s1  }
0x8c: {  	s17 =	sshll.u32 s0, $0xA;
	s2 =	sadd.s32 s3, s2  }
0x8d: {  	s2 =	sadd.s32 s2, s17  }
0x8e: {  	[smem:$0x3FC2] =	sst s2  }
0x8f: {  	_ = 	snop  }
0x90: {  	s2 =	sld [smem:$0x3FD0];
	(tm) =	ssettm $0x1  }
0x91: {  	s18 =	sld [smem:$0x3FFB];
	_ =	sdelay $0x3  }
0x92: {  	_ =	strace s18  }
0x93: {  	s3 =	sld [smem:$0x3FFC];
	_ =	sdelay $0x3  }
0x94: {  	_ =	strace s3  }
0x95: {  	s3 =	sld [smem:$0x3FFD];
	_ =	sdelay $0x3  }
0x96: {  	_ =	strace s3  }
0x97: {  	_ =	strace $0x8FFFFFFF  }
0x98: {  	s19 =	sld [smem:$0x3FDB];
	_ =	sdelay $0x1  }
0x99: {  	s4 =	simm.s32 $_scs_section_size  }
0x9a: {  	s5 =	simm.s32 $_size__tile_overlayer_lowered;
	s6 =	simm.s32 $_tile_overlayer_lowered  }
0x9b: {  	s22 =	simm.s32 $0x1BFF;
	s21 =	sshll.u32 s6, $0x1;
	s3 =	sadd.s32 s4, s19  }
0x9c: {  	s7 =	simm.s32 $0x0;
	s20 =	sshll.u32 s5, $0x1;
	s5 =	sadd.s32 s21, s3  }
0x9d: {  	[timem:s7], [sflag:s22] =	dma.local [hbm:s5], s20  }
0x9e: {  	_ =	swait.ge [sflag:s22], s20  }
0x9f: {  	s4 =	ssub.s32 $0x0, s20;
	[sflag:s22] =	ssyncset.done $0x0  }
0xa0: {  	[sflag:s22] =	ssyncadd.s32 s4;
	_ =	sdelay $0x1  }
0xa1: {  	s23 =	simm.s32 $0x1B8B  }
0xa2: {  	_ =	swait.ge [sflag:s23], $0x1  }
0xa3: {  	[sflag:s23] =	ssyncset.done $0x0  }
0xa4: {  	s25 =	simm.s32 $0x1B8E;
	s24 =	sld [smem:$0x3FFE];
	[sflag:s23] =	ssyncadd.s32 $0xFFFFFFFF  }
0xa5: {  	s26 =	simm.s32 $execute0_lowered;
	[smem:$0x3FD2] =	sst s25  }
0xa6: {  	s5 =	sshll.u32 s26, $0x1;
	_ =	strace $0x80000046;
	[dreg:$0x1] =	wrdreg $0xFFFFFFFF  }
0xa7: {  	s28 =	simm.s32 $_size_execute0_lowered;
	s3 =	sadd.s32 s3, s5;
	[dreg:$0x0] =	wrdreg $0x0  }
0xa8: {  	s5 =	sshll.u32 s28, $0x1;
	[dreg:$0x2] =	wrdreg s3  }
0xa9: {  	[dreg:$0x3] =	wrdreg s5  }
0xaa: {  	[dreg:$0x4] =	wrdreg $0xC0  }
0xab: {  	_ =	task [dreg:s7], $0x5FFFF  }
0xac: {  	[dreg:$0x1] =	wrdreg $0xFFFFFFFF  }
0xad: {  	[dreg:$0x0] =	wrdreg $0x60  }
0xae: {  	[dreg:$0x2] =	wrdreg s24  }
0xaf: {  	[dreg:$0x3] =	wrdreg s2  }
0xb0: {  	[dreg:$0x4] =	wrdreg $0x52800  }
0xb1: {  	[dreg:$0x5] =	wrdreg $0x9  }
0xb2: {  	_ =	task.clear_ibuf [dreg:s7], $0x6FFFF;
	_ =	strace $0x90000046  }
0xb3: {  	s29 =	simm.s32 $0x9;
	_ =	strace $0x80000048  }
0xb4: {  	_ =	swait.ge [sflag:s29], $0x1  }
0xb5: {  	[sflag:s29] =	ssyncadd.s32 $0xFFFFFFFF  }
0xb6: {  	_ =	strace $0x90000048  }
0xb7: {  	_ =	sfence  }
0xb8: {  	s30 =	sld [smem:$0x0];
	_ =	sdelay $0x2  }
0xb9: {  	s31 =	sshll.u32 s1, $0xD;
	s1 =	sshrl.u32 s1, $0x2  }
0xba: {  	s3 =	sand.u32 $0x4000, s31;
	s1 =	sadd.s32 s1, s30  }
0xbb: {  	s0 =	sor.u32 s3, s0;
	s1 =	sshll.u32 s1, $0x11  }
0xbc: {  	s0 =	sor.u32 s1, s0  }
0xbd: {  	s0 =	sadd.s32 $0x8F2B, s0  }
0xbe: {  	[sflag:s0] =	ssyncadd.remote.s32 $0x1  }
0xbf: {  	_ =	sfence.sel $0xFFFF  }
0xc0: {  	[dreg:$0x0] =	wrdreg $0xFFFFFFFF;
	(pc) =	sbr.abs _section_cstart, $3  }
0xc1: {  	[dreg:$0x1] =	wrdreg $0xFFFFFFFF  }
0xc2: {  	_ =	task.clear_ibuf [dreg:s7], $0x2FFFF;
	_ =	strace $0x9FFFFFFF  }
0xc3: {  	(tm) =	ssettm $0x7FFFFFFF  }
tec
execute0_lowered:
.L_overlay_start_1:
0x0: {  	(tag) =	ssettag $0x1  }
0x1: {  	s0 =	stileid.u32;
	s5 =	rddreg [dreg:$0x0]  }
0x2: {  	s1 =	srdreg.scid;
	s7 =	rddreg [dreg:$0x1]  }
0x3: {  	s2 =	rddreg [dreg:$0x2];
	s3 =	simm.s32 $0x0;
	s13 =	simm.s32 $0x4F00  }
0x4: {  	s16 =	simm.s32 $0x20;
	s17 =	simm.s32 $0x10;
	s4 =	smul.u32 $0x4E2, s0  }
0x5: {  	s6 =	sand.u32 $0x1, s1;
	s1 =	rddreg [dreg:$0x3];
	s11 =	smul.u32 $0x500, s0  }
0x6: {  	s18 =	simm.s32 $0x0;
	[smem:$0x7FF] =	sst s3;
	s12 =	smul.u32 $0xA00, s0  }
0x7: {  	s14 =	sshll.u32 s0, $0x6;
	s9 =	smul.u32 $0x4E200, s6;
	_ =	strace $0x80000047  }
0x8: {  	s28 =	ssub.s32 $0x2, s6;
	s6 =	sshll.u32 s6, $0x7;
	s14 =	sor.u32 $0x1C02, s14  }
0x9: {  	s8 =	sshrl.u32 s4, $0x4;
	s29 =	sshrl.u32 s28, $0x1;
	s4 =	sadd.s32 $0x4E2, s4  }
0xa: {  	s6 =	sor.u32 s6, s11;
	s30 =	sshrl.u32 s12, $0x2;
	s11 =	simm.s32 $0x1  }
0xb: {  	s12 =	simm.s32 $0x100;
	s10 =	sshll.u32 s8, $0x8;
	s4 =	sshrl.u32 s4, $0x4  }
.Ltmp0:
0xc: {  	s31 =	sshrl.u32 s6, $0x3;
	s6 =	sadd.s32 s30, s2;
	(pc) =	sbr.rel .LBB2_1-.Ltmp0, $4  }
0xd: {  	s9 =	sadd.s32 s9, s10;
	s4 =	ssub.s32 s4, s8;
	s7 =	sadd.s32 s7, s31  }
0xe: {  	s10 =	simm.s32 $0x2;
	s15 =	sshrl.u32 s6, $0x3;
	s9 =	sshrl.u32 s9, $0x3  }
0xf: {  	p0 =	slt.s32 s4, $0x1;
	s5 =	sadd.s32 s9, s5;
	s9 =	ssub.s32 s28, s29  }
0x10: {  	v0 =	vimm.f32 $1.000000000e+00;
	v1 =	vimm.f32 $0.0e+00;
	s5 =	sadd.s32 $0x1C00, s5;
	s8 =	smax.u32 s9, $0x1;
	s9 =	simm.s32 $0x5000  }
.LBB2_4:
0x11: {  	[sflag:s10] =	ssyncadd.s32 $0xFFFFFF00  }
.LBB2_5:
0x12: {  	s18 =	sadd.s32 $0x1, s18  }
0x13: {  	p1 =	sne.s32 s18, s8  }
.Ltmp1:
0x14: {  	[bflag:$0x0] =	sbarrier.arrive $0xFFFF;
	(pc) =	sbr.rel @!p1 .LBB2_6-.Ltmp1, $4  }
0x15: {  	[hbm:s7@s16], [sflag:s14] =	dma.strided [spmem:s15@s17], $0x50, s11, $0x10   }
0x16: {  	_ =	swait.ge [sflag:s10], $0x50  }
0x17: {  	[sflag:s10] =	ssyncset.done $0x0  }
0x18: {  	[sflag:s10] =	ssyncadd.s32 $0xFFFFFFB0  }
.LBB2_1:
0x19: {  	[tilespmem:s3], [sflag:$0x1] =	stream.linear.gather [hbm4b:s5+s3], $0x4F00, $0x38;
	[tilespmem:$0x5500] =	vst v63  }
0x1a: {  	[tilespmem:$0x4F00] =	vst v0  }
0x1b: {  	[tilespmem:$0x4F10] =	vst v0  }
0x1c: {  	[tilespmem:$0x4F20] =	vst v0  }
0x1d: {  	[tilespmem:$0x4F30] =	vst v0  }
0x1e: {  	[tilespmem:$0x4F40] =	vst v0  }
0x1f: {  	[tilespmem:$0x4F50] =	vst v0  }
0x20: {  	[tilespmem:$0x4F60] =	vst v0  }
0x21: {  	[tilespmem:$0x4F70] =	vst v0  }
0x22: {  	[tilespmem:$0x4F80] =	vst v0  }
0x23: {  	[tilespmem:$0x4F90] =	vst v0  }
0x24: {  	[tilespmem:$0x4FA0] =	vst v0  }
0x25: {  	[tilespmem:$0x4FB0] =	vst v0  }
0x26: {  	[tilespmem:$0x4FC0] =	vst v0  }
0x27: {  	[tilespmem:$0x4FD0] =	vst v0  }
0x28: {  	[tilespmem:$0x4FE0] =	vst v0  }
0x29: {  	[tilespmem:$0x4FF0] =	vst v0  }
0x2a: {  	[tilespmem:$0x5000] =	vst v1  }
0x2b: {  	[tilespmem:$0x5010] =	vst v1  }
0x2c: {  	[tilespmem:$0x5020] =	vst v1  }
0x2d: {  	[tilespmem:$0x5030] =	vst v1  }
0x2e: {  	[tilespmem:$0x5040] =	vst v1  }
0x2f: {  	[tilespmem:$0x5050] =	vst v1  }
0x30: {  	[tilespmem:$0x5060] =	vst v1  }
0x31: {  	[tilespmem:$0x5070] =	vst v1  }
0x32: {  	[tilespmem:$0x5080] =	vst v1  }
0x33: {  	[tilespmem:$0x5090] =	vst v1  }
0x34: {  	[tilespmem:$0x50A0] =	vst v1  }
0x35: {  	[tilespmem:$0x50B0] =	vst v1  }
0x36: {  	[tilespmem:$0x50C0] =	vst v1  }
0x37: {  	[tilespmem:$0x50D0] =	vst v1  }
0x38: {  	[tilespmem:$0x50E0] =	vst v1  }
0x39: {  	[tilespmem:$0x50F0] =	vst v1  }
0x3a: {  	[tilespmem:$0x5100] =	vst v1  }
0x3b: {  	[tilespmem:$0x5110] =	vst v1  }
0x3c: {  	[tilespmem:$0x5120] =	vst v1  }
0x3d: {  	[tilespmem:$0x5130] =	vst v1  }
0x3e: {  	[tilespmem:$0x5140] =	vst v1  }
0x3f: {  	[tilespmem:$0x5150] =	vst v1  }
0x40: {  	[tilespmem:$0x5160] =	vst v1  }
0x41: {  	[tilespmem:$0x5170] =	vst v1  }
0x42: {  	[tilespmem:$0x5180] =	vst v1  }
0x43: {  	[tilespmem:$0x5190] =	vst v1  }
0x44: {  	[tilespmem:$0x51A0] =	vst v1  }
0x45: {  	[tilespmem:$0x51B0] =	vst v1  }
0x46: {  	[tilespmem:$0x51C0] =	vst v1  }
0x47: {  	[tilespmem:$0x51D0] =	vst v1  }
0x48: {  	[tilespmem:$0x51E0] =	vst v1  }
0x49: {  	[tilespmem:$0x51F0] =	vst v1  }
0x4a: {  	[tilespmem:$0x5200] =	vst v1  }
0x4b: {  	[tilespmem:$0x5210] =	vst v1  }
0x4c: {  	[tilespmem:$0x5220] =	vst v1  }
0x4d: {  	[tilespmem:$0x5230] =	vst v1  }
0x4e: {  	[tilespmem:$0x5240] =	vst v1  }
0x4f: {  	[tilespmem:$0x5250] =	vst v1  }
0x50: {  	[tilespmem:$0x5260] =	vst v1  }
0x51: {  	[tilespmem:$0x5270] =	vst v1  }
0x52: {  	[spmem:s6] =	stream.linear.scatter [tilespmem:s9], [sflag:$0x2], $0x280, $0x38;
	[tilespmem:$0x5500] =	vst v63  }
0x53: {  	_ =	swait.ge [sflag:s10], $0x280  }
0x54: {  	[sflag:s10] =	ssyncset.done $0x0  }
0x55: {  	[sflag:s10] =	ssyncadd.s32 $0xFFFFFD80  }
.Ltmp2:
0x56: {  	_ =	swait.ge [sflag:s11], $0x4F00;
	(pc) =	sbr.rel @p0 .LBB2_5-.Ltmp2, $3  }
0x57: {  	[sflag:s11] =	ssyncset.done $0x0  }
0x58: {  	[sflag:s11] =	ssyncadd.s32 $0xFFFFB100  }
0x59: {  	[bflag:$0x0] =	sbarrier.arrive $0xFFFF;
	_ =	sdelay $0x1  }
0x5a: {  	p1 =	sne.s32 s4, $0x1  }
.Ltmp3:
0x5b: {  	_ = 	snop;
	(pc) =	sbr.rel @!p1 .LBB2_4-.Ltmp3, $4  }
0x5c: {  	_ = 	snop  }
0x5d: {  	[spmem:s2] =	stream.indirect.scatter.add.f32 [tilespmem:s13], [sflag:$0x2], $0x1, s3, s12, $0xb8;
	[tilespmem:$0x5500] =	vst v63  }
0x5e: {  	_ =	swait.ge [sflag:s10], $0x100  }
0x5f: {  	s19 =	sadd.s32 $0xFFFFFFFF, s4;
	s20 =	simm.s32 $0x0;
	[sflag:s10] =	ssyncset.done $0x0  }
.LBB2_3:
0x60: {  	p1 =	sne.s32 s19, $0x1;
	[sflag:s10] =	ssyncadd.s32 $0xFFFFFF00;
	s20 =	sadd.s32 $0x100, s20  }
.Ltmp4:
0x61: {  	s19 =	sadd.s32 $0xFFFFFFFF, s19;
	(pc) =	sbr.rel @p1 .LBB2_3-.Ltmp4, $4  }
0x62: {  	_ = 	snop  }
0x63: {  	[spmem:s2] =	stream.indirect.scatter.add.f32 [tilespmem:s13], [sflag:$0x2], $0x1, s20, s12, $0xb8;
	[tilespmem:$0x5500] =	vst v63  }
0x64: {  	_ =	swait.ge [sflag:s10], $0x100  }
0x65: {  	[sflag:s10] =	ssyncset.done $0x0  }
.Ltmp5:
0x66: {  	_ = 	snop;
	(pc) =	sbr.rel .LBB2_4-.Ltmp5, $1  }
0x67: {  	_ =	sdelay $0x3  }
.LBB2_6:
0x68: {  	_ =	sfence.sel $0x180000  }
0x69: {  	[bflag:$0x0] =	sbarrier.arrive $0xFFFF  }
0x6a: {  	p0 =	sne.s32 s0, $0x0;
	_ =	strace $0x90000047  }
0x6b: {  	s0 =	sadd.s32 @!p0 $0x100000, s1;
	[bflag:$0x2] =	sbarrier.arrive $0xFFFF  }
0x6c: {  	[sflag:s0] =	ssyncadd.tile.s32 @!p0 $0x1;
	_ =	shalt  }
.Lfunc_end2:
_tile_overlayer_lowered:
.L_overlay_start_2:
0x6d: {  	(tag) =	ssettag $0x2  }
0x6e: {  	s0 =	rddreg [dreg:$0x0];
	s2 =	stileid.u32  }
0x6f: {  	s1 =	rddreg [dreg:$0x1];
	p0 =	sne.s32 s2, $0x0  }
0x70: {  	s3 =	rddreg [dreg:$0x2];
	[bflag:$0x3] =	sbarrier.arrive $0xFFFF;
	s2 =	simm.s32 @!p0 $0x1C02  }
0x71: {  	[timem:s3], [sflag:s2] =	dma.local @!p0 [hbm:s0], s1  }
0x72: {  	s0 =	simm.s32 @!p0 $0x2  }
0x73: {  	_ =	swait.ge @!p0 [sflag:s0], s1  }
0x74: {  	s1 =	ssub.s32 @!p0 $0x0, s1;
	[sflag:s0] =	ssyncset.done @!p0 $0x0  }
0x75: {  	[sflag:s0] =	ssyncadd.s32 @!p0 s1  }
0x76: {  	[bflag:$0x3] =	sbarrier.arrive $0xFFFF  }
0x77: {  	_ =	shalt  }

// kernel: kernel.9.cloned.1.call-start
scs
__scs_entry_jumppad:
0x0: {  	(pc) =	sbr.rel $0x88, $3  }
0x1: {  	(tag) =	ssettag $0x0;
	lr =	simm.s32 $0x1  }
0x2: {  	[smem:$0x3F9B] =	sst lr;
	_ =	strace $0xD0000000  }
0x3: {  	_ = 	snop  }
0x4: {  	_ = 	snop  }
0x5: {  	_ = 	snop  }
0x6: {  	_ = 	snop  }
0x7: {  	_ = 	snop  }
__scs_overlays_trampoline_lowered:
0x8: {  	[smem:$0x3FAA] =	sst s0  }
0x9: {  	[smem:$0x3FAB] =	sst s1  }
0xa: {  	[smem:$0x3FAC] =	sst s2  }
0xb: {  	[smem:$0x3FAD] =	sst s3  }
0xc: {  	[smem:$0x3FAE] =	sst s4  }
0xd: {  	[smem:$0x3FAF] =	sst s5  }
0xe: {  	[smem:$0x3FB0] =	sst s6  }
0xf: {  	[smem:$0x3FB1] =	sst s7  }
0x10: {  	[smem:$0x3FB2] =	sst s8  }
0x11: {  	[smem:$0x3FB3] =	sst s9;
	s0 =	simm.s32 @!p0 $0x0  }
0x12: {  	s1 =	sld [smem:$0x3F99];
	s0 =	simm.s32 @p0 $0x1  }
0x13: {  	[smem:$0x3FB4] =	sst s0;
	s0 =	simm.s32 @!p1 $0x0  }
0x14: {  	s2 =	sld [smem:$0x3F98];
	s0 =	simm.s32 @p1 $0x1  }
0x15: {  	[smem:$0x3FB5] =	sst s0;
	s0 =	simm.s32 @!p2 $0x0  }
0x16: {  	s3 =	sld [smem:$0x3FDB];
	s0 =	simm.s32 @p2 $0x1  }
0x17: {  	s4 =	simm.s32 $0x1BF5;
	[smem:$0x3FB7] =	sst s0  }
0x18: {  	s0 =	sld [smem:$0x3F9A];
	_ =	swait.ge [sflag:s4], $0x0  }
0x19: {  	s7 =	sld [smem:$0x3F9B]  }
0x1a: {  	s8 =	sadd.s32 $0xFFFFE003, lr  }
0x1b: {  	s9 =	sadd.s32 $0xFFFFFEF7, lr;
	s5 =	simm.s32 $0xFFFFFFFF;
	p2 =	slt.u32 s8, $0xFFFFF086  }
0x1c: {  	p1 =	slt.u32 s9, $0xF7A;
	s5 =	simm.s32 @!p2 $0x0  }
0x1d: {  	s5 =	simm.s32 @p1 $0x1;
	p0 =	seq.s32 s7, s2  }
0x1e: {  	s7 =	smul.u32 @!p0 $0xF7A, s2;
	p2 =	seq.s32 @!p0 s5, $0x0  }
0x1f: {  	s9 =	smul.u32 $0xF7A, s1;
	s8 =	simm.s32 @!p0 $0x1BF5;
	p2 =	por !p2, p0  }
0x20: {  	[sflag:s8] =	ssyncset.s32 @!p0 $0xFFFFF086;
	s6 =	sadd.s32 @!p0 s3, s7;
	s7 =	simm.s32 @!p0 $0x108  }
0x21: {  	s3 =	sadd.s32 s3, s9;
	s6 =	sadd.s32 @!p0 $0x88, s6;
	s7 =	simm.s32 @p2 $0x1082  }
0x22: {  	[simem:s7], [sflag:s8] =	dma.local @!p0 [hbm:s6], $0xF7A  }
0x23: {  	s9 =	sor.u32 $0xD0000000, s2;
	s6 =	simm.s32 $0x108;
	_ =	swait.ge @!p0 [sflag:s8], $0x0  }
0x24: {  	s3 =	sadd.s32 $0x88, s3;
	s6 =	simm.s32 @!p1 $0x1082;
	[sflag:s4] =	ssyncset.s32 $0xFFFFF086  }
0x25: {  	[simem:s6], [sflag:s4] =	dma.local [hbm:s3], $0xF7A  }
0x26: {  	[smem:$0x3F9B] =	sst s1;
	(tag) =	ssettag s2;
	_ =	strace s9  }
0x27: {  	s1 =	sld [smem:$0x3FAB]  }
0x28: {  	s2 =	sld [smem:$0x3FAC]  }
0x29: {  	s4 =	sld [smem:$0x3FAE]  }
0x2a: {  	p0 =	seq.s32 s5, $0x0;
	s5 =	sld [smem:$0x3FAF]  }
0x2b: {  	s6 =	sld [smem:$0x3FB0]  }
0x2c: {  	s7 =	sld [smem:$0x3FB1]  }
0x2d: {  	s3 =	simm.s32 $0x108;
	s8 =	sld [smem:$0x3FB2]  }
0x2e: {  	s3 =	simm.s32 @!p0 $0x1082;
	s9 =	sld [smem:$0x3FB3]  }
0x2f: {  	lr =	sadd.s32 s0, s3;
	s0 =	sld [smem:$0x3FAA]  }
0x30: {  	s3 =	sld [smem:$0x3FAD]  }
0x31: {  	[smem:$0x3FB6] =	sst s10  }
0x32: {  	s10 =	sld [smem:$0x3FB4];
	_ =	sdelay $0x3  }
0x33: {  	p0 =	seq.s32 s10, $0x1;
	s10 =	sld [smem:$0x3FB6];
	_ =	sdelay $0x3  }
0x34: {  	[smem:$0x3FB6] =	sst s10  }
0x35: {  	s10 =	sld [smem:$0x3FB5];
	_ =	sdelay $0x3  }
0x36: {  	p1 =	seq.s32 s10, $0x1;
	s10 =	sld [smem:$0x3FB6];
	_ =	sdelay $0x3  }
0x37: {  	[smem:$0x3FB6] =	sst s10  }
0x38: {  	s10 =	sld [smem:$0x3FB7]  }
0x39: {  	_ = 	snop;
	(pc) =	sbr.ind lr, $3  }
0x3a: {  	_ = 	snop  }
0x3b: {  	_ = 	snop  }
0x3c: {  	p2 =	seq.s32 s10, $0x1;
	s10 =	sld [smem:$0x3FB6]  }
0x3d: {  	_ =	shalt  }
0x3e: {  	_ =	shalt  }
0x3f: {  	_ =	shalt  }
0x40: {  	_ =	shalt  }
0x41: {  	_ =	shalt  }
0x42: {  	_ =	shalt  }
0x43: {  	_ =	shalt  }
0x44: {  	_ =	shalt  }
0x45: {  	_ =	shalt  }
0x46: {  	_ =	shalt  }
0x47: {  	_ =	shalt  }
0x48: {  	_ =	shalt  }
0x49: {  	_ =	shalt  }
0x4a: {  	_ =	shalt  }
0x4b: {  	_ =	shalt  }
0x4c: {  	_ =	shalt  }
0x4d: {  	_ =	shalt  }
0x4e: {  	_ =	shalt  }
0x4f: {  	_ =	shalt  }
0x50: {  	_ =	shalt  }
0x51: {  	_ =	shalt  }
0x52: {  	_ =	shalt  }
0x53: {  	_ =	shalt  }
0x54: {  	_ =	shalt  }
0x55: {  	_ =	shalt  }
0x56: {  	_ =	shalt  }
0x57: {  	_ =	shalt  }
0x58: {  	_ =	shalt  }
0x59: {  	_ =	shalt  }
0x5a: {  	_ =	shalt  }
0x5b: {  	_ =	shalt  }
0x5c: {  	_ =	shalt  }
0x5d: {  	_ =	shalt  }
0x5e: {  	_ =	shalt  }
0x5f: {  	_ =	shalt  }
0x60: {  	_ =	shalt  }
0x61: {  	_ =	shalt  }
0x62: {  	_ =	shalt  }
0x63: {  	_ =	shalt  }
0x64: {  	_ =	shalt  }
0x65: {  	_ =	shalt  }
0x66: {  	_ =	shalt  }
0x67: {  	_ =	shalt  }
0x68: {  	_ =	shalt  }
0x69: {  	_ =	shalt  }
0x6a: {  	_ =	shalt  }
0x6b: {  	_ =	shalt  }
0x6c: {  	_ =	shalt  }
0x6d: {  	_ =	shalt  }
0x6e: {  	_ =	shalt  }
0x6f: {  	_ =	shalt  }
0x70: {  	_ =	shalt  }
0x71: {  	_ =	shalt  }
0x72: {  	_ =	shalt  }
0x73: {  	_ =	shalt  }
0x74: {  	_ =	shalt  }
0x75: {  	_ =	shalt  }
0x76: {  	_ =	shalt  }
0x77: {  	_ =	shalt  }
0x78: {  	_ =	shalt  }
0x79: {  	_ =	shalt  }
0x7a: {  	_ =	shalt  }
0x7b: {  	_ =	shalt  }
0x7c: {  	_ =	shalt  }
0x7d: {  	_ =	shalt  }
0x7e: {  	_ =	shalt  }
0x7f: {  	_ =	shalt  }
0x80: {  	_ =	shalt  }
0x81: {  	_ =	shalt  }
0x82: {  	_ =	shalt  }
0x83: {  	_ =	shalt  }
0x84: {  	_ =	shalt  }
0x85: {  	_ =	shalt  }
0x86: {  	_ =	shalt  }
0x87: {  	_ =	shalt  }
.Lfunc_end0:
.L_simem_size_0:
called_computation.1_lowered:
.L_overlay_start_0:
0x88: {  	s2 =	sld [smem:$0x3FD9]  }
0x89: {  	s3 =	sld [smem:$0x3FFE];
	_ =	sdelay $0x1  }
0x8a: {  	s1 =	srdreg.scid  }
0x8b: {  	s0 =	sand.u32 $0x1, s1  }
0x8c: {  	s16 =	sshll.u32 s0, $0xA;
	s2 =	sadd.s32 s3, s2  }
0x8d: {  	s2 =	sadd.s32 s2, s16  }
0x8e: {  	[smem:$0x3FC2] =	sst s2  }
0x8f: {  	_ = 	snop  }
0x90: {  	(tm) =	ssettm $0x1  }
0x91: {  	s17 =	sld [smem:$0x3FFB];
	_ =	sdelay $0x3  }
0x92: {  	_ =	strace s17  }
0x93: {  	s2 =	sld [smem:$0x3FFC];
	_ =	sdelay $0x3  }
0x94: {  	_ =	strace s2  }
0x95: {  	s2 =	sld [smem:$0x3FFD];
	_ =	sdelay $0x3  }
0x96: {  	_ =	strace s2  }
0x97: {  	_ =	strace $0x8FFFFFFF  }
0x98: {  	s18 =	sld [smem:$0x3FDB];
	_ =	sdelay $0x1  }
0x99: {  	s19 =	simm.s32 $_scs_section_size  }
0x9a: {  	s4 =	simm.s32 $_size__tile_overlayer_lowered;
	s5 =	simm.s32 $_tile_overlayer_lowered  }
0x9b: {  	s22 =	simm.s32 $0x1BFF;
	s21 =	sshll.u32 s5, $0x1;
	s2 =	sadd.s32 s19, s18  }
0x9c: {  	s6 =	simm.s32 $0x0;
	s20 =	sshll.u32 s4, $0x1;
	s4 =	sadd.s32 s21, s2  }
0x9d: {  	[timem:s6], [sflag:s22] =	dma.local [hbm:s4], s20  }
0x9e: {  	_ =	swait.ge [sflag:s22], s20  }
0x9f: {  	s3 =	ssub.s32 $0x0, s20;
	[sflag:s22] =	ssyncset.done $0x0  }
0xa0: {  	[sflag:s22] =	ssyncadd.s32 s3;
	_ =	sdelay $0x1  }
0xa1: {  	s23 =	simm.s32 $0x1B8B  }
0xa2: {  	_ =	swait.ge [sflag:s23], $0x1  }
0xa3: {  	[sflag:s23] =	ssyncset.done $0x0  }
0xa4: {  	s25 =	simm.s32 $0x1B8E;
	s24 =	sld [smem:$0x3FFE];
	[sflag:s23] =	ssyncadd.s32 $0xFFFFFFFF  }
0xa5: {  	s26 =	simm.s32 $execute0_lowered;
	[smem:$0x3FD2] =	sst s25  }
0xa6: {  	s4 =	sshll.u32 s26, $0x1;
	_ =	strace $0x80000049;
	[dreg:$0x1] =	wrdreg $0xFFFFFFFF  }
0xa7: {  	s28 =	simm.s32 $_size_execute0_lowered;
	s2 =	sadd.s32 s2, s4;
	[dreg:$0x0] =	wrdreg $0x0  }
0xa8: {  	s4 =	sshll.u32 s28, $0x1;
	[dreg:$0x2] =	wrdreg s2  }
0xa9: {  	[dreg:$0x3] =	wrdreg s4  }
0xaa: {  	[dreg:$0x4] =	wrdreg $0xC0  }
0xab: {  	_ =	task [dreg:s6], $0x5FFFF  }
0xac: {  	[dreg:$0x1] =	wrdreg $0xFFFFFFFF  }
0xad: {  	[dreg:$0x0] =	wrdreg $0x60  }
0xae: {  	[dreg:$0x2] =	wrdreg s24  }
0xaf: {  	[dreg:$0x3] =	wrdreg $0x94000  }
0xb0: {  	[dreg:$0x4] =	wrdreg $0x9  }
0xb1: {  	_ =	task.clear_ibuf [dreg:s6], $0x5FFFF;
	_ =	strace $0x90000049  }
0xb2: {  	s29 =	simm.s32 $0x9;
	_ =	strace $0x8000004B  }
0xb3: {  	_ =	swait.ge [sflag:s29], $0x1  }
0xb4: {  	[sflag:s29] =	ssyncadd.s32 $0xFFFFFFFF  }
0xb5: {  	_ =	strace $0x9000004B  }
0xb6: {  	_ =	sfence  }
0xb7: {  	s30 =	sld [smem:$0x0];
	_ =	sdelay $0x2  }
0xb8: {  	s31 =	sshll.u32 s1, $0xD;
	s1 =	sshrl.u32 s1, $0x2  }
0xb9: {  	s3 =	sand.u32 $0x4000, s31;
	s1 =	sadd.s32 s1, s30  }
0xba: {  	s0 =	sor.u32 s3, s0;
	s1 =	sshll.u32 s1, $0x11  }
0xbb: {  	s0 =	sor.u32 s1, s0  }
0xbc: {  	s0 =	sadd.s32 $0x8F2B, s0  }
0xbd: {  	[sflag:s0] =	ssyncadd.remote.s32 $0x1  }
0xbe: {  	_ =	sfence.sel $0xFFFF  }
0xbf: {  	[dreg:$0x0] =	wrdreg $0xFFFFFFFF;
	(pc) =	sbr.abs _section_cstart, $3  }
0xc0: {  	[dreg:$0x1] =	wrdreg $0xFFFFFFFF  }
0xc1: {  	_ =	task.clear_ibuf [dreg:s6], $0x2FFFF;
	_ =	strace $0x9FFFFFFF  }
0xc2: {  	(tm) =	ssettm $0x7FFFFFFF  }
0xc3: {  	_ =	shalt  }
tec
execute0_lowered:
.L_overlay_start_1:
0x0: {  	(tag) =	ssettag $0x1  }
0x1: {  	s0 =	srdreg.scid;
	s10 =	stileid.u32  }
0x2: {  	s5 =	rddreg [dreg:$0x0];
	s3 =	simm.s32 $0x0;
	s15 =	simm.s32 $0x100  }
0x3: {  	s17 =	simm.s32 $0xA80;
	s18 =	simm.s32 $0x180;
	s19 =	simm.s32 $0xB00  }
0x4: {  	s21 =	simm.s32 $0x200;
	s0 =	sand.u32 $0x1, s0;
	s2 =	smul.u32 $0x7D, s10  }
0x5: {  	s22 =	simm.s32 $0xB80;
	s24 =	simm.s32 $0x280;
	s1 =	smul.u32 $0x7D0, s0  }
0x6: {  	s25 =	simm.s32 $0xC00;
	s11 =	simm.s32 $0x380;
	[smem:$0x7FF] =	sst s3  }
0x7: {  	s28 =	simm.s32 $0x800;
	s1 =	sadd.s32 s2, s1;
	s2 =	rddreg [dreg:$0x1]  }
0x8: {  	s29 =	simm.s32 $0x1180;
	_ =	strace $0x8000004A;
	[dreg:$0x3] =	wrdreg s15  }
0x9: {  	s30 =	simm.s32 $0x880;
	s7 =	smul.u32 $0x14000, s10;
	[dreg:$0x4] =	wrdreg s17  }
0xa: {  	s31 =	simm.s32 $0x1200;
	s20 =	smul.u32 $0x50000, s10;
	[dreg:$0x5] =	wrdreg s18  }
0xb: {  	s4 =	sadd.s32 $0x15600, s5;
	s6 =	smul.u32 $0x140000, s0;
	[dreg:$0x6] =	wrdreg s19  }
0xc: {  	s8 =	sshll.u32 s0, $0x4;
	s0 =	ssub.s32 $0x2, s0;
	[dreg:$0x7] =	wrdreg s21  }
0xd: {  	s13 =	sor.u32 s10, s8;
	s14 =	sshrl.u32 s0, $0x1;
	[dreg:$0x8] =	wrdreg s22  }
0xe: {  	s23 =	sshrl.u32 s20, $0x2;
	s8 =	simm.s32 $0x300;
	[dreg:$0x9] =	wrdreg s24  }
0xf: {  	s20 =	simm.s32 $0xE00;
	s6 =	sadd.s32 s7, s6;
	[dreg:$0xa] =	wrdreg s25  }
0x10: {  	s7 =	smul.u32 $0x7D, s13;
	s0 =	ssub.s32 s0, s14;
	[dreg:$0xb] =	wrdreg s8  }
0x11: {  	[dreg:$0xd] =	wrdreg s11;
	s14 =	simm.s32 $0xD00;
	s18 =	simm.s32 $0xD80  }
0x12: {  	s19 =	simm.s32 $0x480;
	[dreg:$0x12] =	wrdreg s20;
	s21 =	simm.s32 $0x500  }
0x13: {  	s22 =	simm.s32 $0xE80;
	s24 =	simm.s32 $0xF00;
	[dreg:$0xe] =	wrdreg s14  }
0x14: {  	s25 =	simm.s32 $0x600;
	s20 =	simm.s32 $0x2;
	[dreg:$0x10] =	wrdreg s18  }
0x15: {  	s8 =	simm.s32 $0x1300;
	s1 =	sshrl.u32 s1, $0x5;
	[dreg:$0x11] =	wrdreg s19  }
0x16: {  	s6 =	sshrl.u32 s6, $0x3;
	s12 =	sadd.s32 s23, s2;
	[dreg:$0x13] =	wrdreg s21  }
0x17: {  	s0 =	smax.u32 s0, $0x1;
	s14 =	simm.s32 $0x1400;
	[dreg:$0x14] =	wrdreg s22  }
0x18: {  	s23 =	simm.s32 $0x580;
	s18 =	simm.s32 $0x5400;
	[dreg:$0x16] =	wrdreg s24  }
0x19: {  	s19 =	simm.s32 $0x1;
	[dreg:$0x17] =	wrdreg s25;
	s21 =	simm.s32 $0x680  }
0x1a: {  	s22 =	simm.s32 $0x1000;
	s24 =	simm.s32 $0x1080;
	s25 =	simm.s32 $0x780  }
0x1b: {  	s1 =	smul.u32 $0x140, s1;
	s9 =	sadd.s32 s6, s5;
	s16 =	sshrl.u32 s7, $0x5  }
0x1c: {  	s7 =	sadd.s32 $0x7D, s7;
	[dreg:$0x1a] =	wrdreg s0;
	s10 =	sadd.s32 $0x4000, s12  }
0x1d: {  	s13 =	sadd.s32 $0x8000, s12;
	s15 =	sadd.s32 $0xC000, s12;
	[dreg:$0x15] =	wrdreg s23  }
0x1e: {  	s17 =	sadd.s32 $0x10000, s12;
	s23 =	simm.s32 $0x700;
	[dreg:$0x1b] =	wrdreg s10  }
0x1f: {  	s0 =	simm.s32 $0x1280;
	s7 =	sshrl.u32 s7, $0x5;
	[dreg:$0x1c] =	wrdreg s13  }
0x20: {  	s26 =	sadd.s32 $0x3C800, s9;
	s9 =	simm.s32 $0xC80;
	[dreg:$0x1d] =	wrdreg s15  }
0x21: {  	[dreg:$0x1e] =	wrdreg s17;
	s15 =	simm.s32 $0x3;
	s17 =	simm.s32 $0x80  }
0x22: {  	s13 =	simm.s32 $0x0;
	s1 =	sadd.s32 s1, s5;
	[dreg:$0x19] =	wrdreg s26  }
.Ltmp0:
0x23: {  	s5 =	ssub.s32 s7, s16;
	[dreg:$0xc] =	wrdreg s9;
	(pc) =	sbr.rel .LBB2_1-.Ltmp0, $4  }
0x24: {  	s16 =	simm.s32 $0x400;
	s26 =	simm.s32 $0xF80;
	s7 =	simm.s32 $0x980  }
0x25: {  	s9 =	simm.s32 $0x1380;
	[dreg:$0xf] =	wrdreg s16;
	s1 =	sadd.s32 $0x1C00, s1  }
0x26: {  	p0 =	slt.s32 s5, $0x1;
	s16 =	simm.s32 $0xA00;
	[dreg:$0x18] =	wrdreg s26  }
0x27: {  	v0 =	vimm.f32 $0.0e+00;
	s26 =	simm.s32 $0x1100;
	[dreg:$0x1f] =	wrdreg s1;
	s1 =	simm.s32 $0x900  }
.LBB2_6:
0x28: {  	[sflag:s15] =	ssyncadd.s32 $0xFFFFC000;
	s13 =	sld [smem:$0x7FD]  }
.LBB2_7:
0x29: {  	s6 =	stileid.u32  }
0x2a: {  	[bflag:$0x0] =	sbarrier.arrive $0xFFFF;
	s6 =	sshll.u32 s6, $0x6  }
0x2b: {  	s11 =	sshrl.u32 s12, $0x3;
	s10 =	rddreg [dreg:$0x19];
	s6 =	sor.u32 $0x1C03, s6  }
0x2c: {  	[hbm:s10], [sflag:s6] =	dma.local [spmem:s11], $0x2800  }
0x2d: {  	_ =	swait.ge [sflag:s15], $0x2800  }
0x2e: {  	s13 =	sadd.s32 $0x1, s13;
	s11 =	rddreg [dreg:$0x1a]  }
0x2f: {  	p1 =	sne.s32 s13, s11  }
.Ltmp1:
0x30: {  	_ = 	snop;
	(pc) =	sbr.rel @!p1 .LBB2_8-.Ltmp1, $3  }
0x31: {  	_ =	sdelay $0x1  }
0x32: {  	[sflag:s15] =	ssyncset.done $0x0  }
0x33: {  	[sflag:s15] =	ssyncadd.s32 $0xFFFFD800  }
.LBB2_1:
0x34: {  	[smem:$0x7FD] =	sst s13;
	s11 =	sand.u32 $0xFE00, s3  }
0x35: {  	s10 =	smov.u32 s12;
	s13 =	sand.u32 $0x70, s3;
	s6 =	sshrl.u32 s11, $0x2  }
0x36: {  	s11 =	simm.s32 $0x40;
	s12 =	sor.u32 s13, s6;
	s13 =	simm.s32 $0x0  }
.LBB2_2:
0x37: {  	p1 =	sne.s32 s11, $0xFFC0  }
0x38: {  	[tilespmem:s12+$0x1400] =	vst v0;
	s13 =	sadd.s32 $0x10, s13;
	s12 =	smov.u32 s11;
	s11 =	sadd.s32 $0x40, s11  }
.Ltmp2:
0x39: {  	(pc) =	sbr.rel @p1 .LBB2_2-.Ltmp2, $4  }
0x3a: {  	_ = 	snop  }
0x3b: {  	s12 =	sand.u32 $0xFE00, s12  }
0x3c: {  	s6 =	sand.u32 $0x70, s13;
	s12 =	sshrl.u32 s12, $0x2  }
0x3d: {  	s12 =	sor.u32 s6, s12  }
0x3e: {  	[tilespmem:s12+$0x1400] =	vst v0  }
0x3f: {  	[spmem:s10] =	stream.linear.scatter [tilespmem:s14], [sflag:$0x3], $0x4000, $0x38;
	[tilespmem:$0x1D400] =	vst v63  }
0x40: {  	_ =	swait.ge [sflag:s15], $0x4000  }
0x41: {  	[sflag:s15] =	ssyncset.done $0x0  }
0x42: {  	s6 =	rddreg [dreg:$0x1b];
	[sflag:s15] =	ssyncadd.s32 $0xFFFFC000  }
0x43: {  	[spmem:s6] =	stream.linear.scatter [tilespmem:s14], [sflag:$0x3], $0x4000, $0x38;
	[tilespmem:$0x1D400] =	vst v63  }
0x44: {  	_ =	swait.ge [sflag:s15], $0x4000  }
0x45: {  	[sflag:s15] =	ssyncset.done $0x0  }
0x46: {  	s12 =	smov.u32 s10;
	s10 =	rddreg [dreg:$0x1c];
	[sflag:s15] =	ssyncadd.s32 $0xFFFFC000  }
0x47: {  	[spmem:s10] =	stream.linear.scatter [tilespmem:s14], [sflag:$0x3], $0x4000, $0x38;
	[tilespmem:$0x1D400] =	vst v63  }
0x48: {  	_ =	swait.ge [sflag:s15], $0x4000  }
0x49: {  	[sflag:s15] =	ssyncset.done $0x0  }
0x4a: {  	s11 =	rddreg [dreg:$0x1d];
	[sflag:s15] =	ssyncadd.s32 $0xFFFFC000  }
0x4b: {  	[spmem:s11] =	stream.linear.scatter [tilespmem:s14], [sflag:$0x3], $0x4000, $0x38;
	[tilespmem:$0x1D400] =	vst v63  }
0x4c: {  	_ =	swait.ge [sflag:s15], $0x4000  }
0x4d: {  	[sflag:s15] =	ssyncset.done $0x0  }
0x4e: {  	s13 =	rddreg [dreg:$0x1e];
	[sflag:s15] =	ssyncadd.s32 $0xFFFFC000  }
0x4f: {  	[spmem:s13] =	stream.linear.scatter [tilespmem:s14], [sflag:$0x3], $0x4000, $0x38;
	[tilespmem:$0x1D400] =	vst v63  }
.Ltmp3:
0x50: {  	_ =	swait.ge [sflag:s15], $0x4000;
	(pc) =	sbr.rel @p0 .LBB2_7-.Ltmp3, $4  }
0x51: {  	[sflag:s15] =	ssyncset.done $0x0  }
0x52: {  	[sflag:s15] =	ssyncadd.s32 $0xFFFFC000  }
0x53: {  	[bflag:$0x0] =	sbarrier.arrive $0xFFFF  }
0x54: {  	s11 =	simm.s32 $0x0;
	s13 =	sld [smem:$0x7FD]  }
0x55: {  	s13 =	rddreg [dreg:$0x1f]  }
0x56: {  	[tilespmem:s3], [sflag:$0x3] =	stream.linear.gather [hbm4b:s13+s3], $0xA00, $0x38;
	[tilespmem:$0x1D400] =	vst v63  }
0x57: {  	_ =	swait.ge [sflag:s15], $0xA00  }
0x58: {  	[sflag:s15] =	ssyncset.done $0x0  }
0x59: {  	s6 =	sadd.s32 $0x9C40, s13;
	[sflag:s15] =	ssyncadd.s32 $0xFFFFF600  }
0x5a: {  	[tilespmem:s16], [sflag:$0x3] =	stream.linear.gather [hbm4b:s6+s3], $0xA00, $0x38;
	[tilespmem:$0x1D400] =	vst v63  }
0x5b: {  	_ =	swait.ge [sflag:s15], $0xA00  }
0x5c: {  	[sflag:s15] =	ssyncset.done $0x0  }
0x5d: {  	[sflag:s15] =	ssyncadd.s32 $0xFFFFF600  }
0x5e: {  	[tilespmem:s14], [sflag:$0x1] =	stream.indirect.gather [hbm4b:s4+s17], $0x80, s3, s17, $0xb8;
	[tilespmem:$0x1D400] =	vst v63  }
0x5f: {  	_ = 	snop  }
0x60: {  	[tilespmem:s18], [sflag:$0x2] =	stream.indirect.gather [hbm4b:s4+s17], $0x80, s17, s17, $0xb8;
	[tilespmem:$0x1D400] =	vst v63  }
0x61: {  	_ =	swait.ge [sflag:s19], $0x4000  }
0x62: {  	[sflag:s19] =	ssyncset.done $0x0  }
0x63: {  	[sflag:s19] =	ssyncadd.s32 $0xFFFFC000  }
0x64: {  	[spmem:s2] =	stream.indirect.scatter.add.f32 [tilespmem:s14], [sflag:$0x3], $0x80, s16, s17, $0xb8;
	[tilespmem:$0x1D400] =	vst v63  }
0x65: {  	_ =	swait.ge [sflag:s15], $0x4000  }
0x66: {  	[sflag:s15] =	ssyncset.done $0x0  }
0x67: {  	s10 =	rddreg [dreg:$0x3];
	[sflag:s15] =	ssyncadd.s32 $0xFFFFC000  }
0x68: {  	[tilespmem:s14], [sflag:$0x1] =	stream.indirect.gather [hbm4b:s4+s17], $0x80, s10, s17, $0xb8;
	[tilespmem:$0x1D400] =	vst v63  }
0x69: {  	_ =	swait.ge [sflag:s20], $0x4000  }
0x6a: {  	[sflag:s20] =	ssyncset.done $0x0  }
0x6b: {  	s10 =	rddreg [dreg:$0x4];
	[sflag:s20] =	ssyncadd.s32 $0xFFFFC000  }
0x6c: {  	[spmem:s2] =	stream.indirect.scatter.add.f32 [tilespmem:s18], [sflag:$0x3], $0x80, s10, s17, $0xb8;
	[tilespmem:$0x1D400] =	vst v63  }
0x6d: {  	_ =	swait.ge [sflag:s15], $0x4000  }
0x6e: {  	[sflag:s15] =	ssyncset.done $0x0  }
0x6f: {  	s10 =	rddreg [dreg:$0x5];
	[sflag:s15] =	ssyncadd.s32 $0xFFFFC000  }
0x70: {  	[tilespmem:s18], [sflag:$0x2] =	stream.indirect.gather [hbm4b:s4+s17], $0x80, s10, s17, $0xb8;
	[tilespmem:$0x1D400] =	vst v63  }
0x71: {  	_ =	swait.ge [sflag:s19], $0x4000  }
0x72: {  	[sflag:s19] =	ssyncset.done $0x0  }
0x73: {  	s10 =	rddreg [dreg:$0x6];
	[sflag:s19] =	ssyncadd.s32 $0xFFFFC000  }
0x74: {  	[spmem:s2] =	stream.indirect.scatter.add.f32 [tilespmem:s14], [sflag:$0x3], $0x80, s10, s17, $0xb8;
	[tilespmem:$0x1D400] =	vst v63  }
0x75: {  	_ =	swait.ge [sflag:s15], $0x4000  }
0x76: {  	[sflag:s15] =	ssyncset.done $0x0  }
0x77: {  	s10 =	rddreg [dreg:$0x7];
	[sflag:s15] =	ssyncadd.s32 $0xFFFFC000  }
0x78: {  	[tilespmem:s14], [sflag:$0x1] =	stream.indirect.gather [hbm4b:s4+s17], $0x80, s10, s17, $0xb8;
	[tilespmem:$0x1D400] =	vst v63  }
0x79: {  	_ =	swait.ge [sflag:s20], $0x4000  }
0x7a: {  	[sflag:s20] =	ssyncset.done $0x0  }
0x7b: {  	s10 =	rddreg [dreg:$0x8];
	[sflag:s20] =	ssyncadd.s32 $0xFFFFC000  }
0x7c: {  	[spmem:s2] =	stream.indirect.scatter.add.f32 [tilespmem:s18], [sflag:$0x3], $0x80, s10, s17, $0xb8;
	[tilespmem:$0x1D400] =	vst v63  }
0x7d: {  	_ =	swait.ge [sflag:s15], $0x4000  }
0x7e: {  	[sflag:s15] =	ssyncset.done $0x0  }
0x7f: {  	s10 =	rddreg [dreg:$0x9];
	[sflag:s15] =	ssyncadd.s32 $0xFFFFC000  }
0x80: {  	[tilespmem:s18], [sflag:$0x2] =	stream.indirect.gather [hbm4b:s4+s17], $0x80, s10, s17, $0xb8;
	[tilespmem:$0x1D400] =	vst v63  }
0x81: {  	_ =	swait.ge [sflag:s19], $0x4000  }
0x82: {  	[sflag:s19] =	ssyncset.done $0x0  }
0x83: {  	s10 =	rddreg [dreg:$0xa];
	[sflag:s19] =	ssyncadd.s32 $0xFFFFC000  }
0x84: {  	[spmem:s2] =	stream.indirect.scatter.add.f32 [tilespmem:s14], [sflag:$0x3], $0x80, s10, s17, $0xb8;
	[tilespmem:$0x1D400] =	vst v63  }
0x85: {  	_ =	swait.ge [sflag:s15], $0x4000  }
0x86: {  	[sflag:s15] =	ssyncset.done $0x0  }
0x87: {  	s10 =	rddreg [dreg:$0xb];
	[sflag:s15] =	ssyncadd.s32 $0xFFFFC000  }
0x88: {  	[tilespmem:s14], [sflag:$0x1] =	stream.indirect.gather [hbm4b:s4+s17], $0x80, s10, s17, $0xb8;
	[tilespmem:$0x1D400] =	vst v63  }
0x89: {  	_ =	swait.ge [sflag:s20], $0x4000  }
0x8a: {  	[sflag:s20] =	ssyncset.done $0x0  }
0x8b: {  	s10 =	rddreg [dreg:$0xc];
	[sflag:s20] =	ssyncadd.s32 $0xFFFFC000  }
0x8c: {  	[spmem:s2] =	stream.indirect.scatter.add.f32 [tilespmem:s18], [sflag:$0x3], $0x80, s10, s17, $0xb8;
	[tilespmem:$0x1D400] =	vst v63  }
0x8d: {  	_ =	swait.ge [sflag:s15], $0x4000  }
0x8e: {  	[sflag:s15] =	ssyncset.done $0x0  }
0x8f: {  	s10 =	rddreg [dreg:$0xd];
	[sflag:s15] =	ssyncadd.s32 $0xFFFFC000  }
0x90: {  	[tilespmem:s18], [sflag:$0x2] =	stream.indirect.gather [hbm4b:s4+s17], $0x80, s10, s17, $0xb8;
	[tilespmem:$0x1D400] =	vst v63  }
0x91: {  	_ =	swait.ge [sflag:s19], $0x4000  }
0x92: {  	[sflag:s19] =	ssyncset.done $0x0  }
0x93: {  	s10 =	rddreg [dreg:$0xe];
	[sflag:s19] =	ssyncadd.s32 $0xFFFFC000  }
0x94: {  	[spmem:s2] =	stream.indirect.scatter.add.f32 [tilespmem:s14], [sflag:$0x3], $0x80, s10, s17, $0xb8;
	[tilespmem:$0x1D400] =	vst v63  }
0x95: {  	_ =	swait.ge [sflag:s15], $0x4000  }
0x96: {  	[sflag:s15] =	ssyncset.done $0x0  }
0x97: {  	s10 =	rddreg [dreg:$0xf];
	[sflag:s15] =	ssyncadd.s32 $0xFFFFC000  }
0x98: {  	[tilespmem:s14], [sflag:$0x1] =	stream.indirect.gather [hbm4b:s4+s17], $0x80, s10, s17, $0xb8;
	[tilespmem:$0x1D400] =	vst v63  }
0x99: {  	_ =	swait.ge [sflag:s20], $0x4000  }
0x9a: {  	[sflag:s20] =	ssyncset.done $0x0  }
0x9b: {  	s10 =	rddreg [dreg:$0x10];
	[sflag:s20] =	ssyncadd.s32 $0xFFFFC000  }
0x9c: {  	[spmem:s2] =	stream.indirect.scatter.add.f32 [tilespmem:s18], [sflag:$0x3], $0x80, s10, s17, $0xb8;
	[tilespmem:$0x1D400] =	vst v63  }
0x9d: {  	_ =	swait.ge [sflag:s15], $0x4000  }
0x9e: {  	[sflag:s15] =	ssyncset.done $0x0  }
0x9f: {  	s10 =	rddreg [dreg:$0x11];
	[sflag:s15] =	ssyncadd.s32 $0xFFFFC000  }
0xa0: {  	[tilespmem:s18], [sflag:$0x2] =	stream.indirect.gather [hbm4b:s4+s17], $0x80, s10, s17, $0xb8;
	[tilespmem:$0x1D400] =	vst v63  }
0xa1: {  	_ =	swait.ge [sflag:s19], $0x4000  }
0xa2: {  	[sflag:s19] =	ssyncset.done $0x0  }
0xa3: {  	s10 =	rddreg [dreg:$0x12];
	[sflag:s19] =	ssyncadd.s32 $0xFFFFC000  }
0xa4: {  	[spmem:s2] =	stream.indirect.scatter.add.f32 [tilespmem:s14], [sflag:$0x3], $0x80, s10, s17, $0xb8;
	[tilespmem:$0x1D400] =	vst v63  }
0xa5: {  	_ =	swait.ge [sflag:s15], $0x4000  }
0xa6: {  	[sflag:s15] =	ssyncset.done $0x0  }
0xa7: {  	s10 =	rddreg [dreg:$0x13];
	[sflag:s15] =	ssyncadd.s32 $0xFFFFC000  }
0xa8: {  	[tilespmem:s14], [sflag:$0x1] =	stream.indirect.gather [hbm4b:s4+s17], $0x80, s10, s17, $0xb8;
	[tilespmem:$0x1D400] =	vst v63  }
0xa9: {  	_ =	swait.ge [sflag:s20], $0x4000  }
0xaa: {  	[sflag:s20] =	ssyncset.done $0x0  }
0xab: {  	s10 =	rddreg [dreg:$0x14];
	[sflag:s20] =	ssyncadd.s32 $0xFFFFC000  }
0xac: {  	[spmem:s2] =	stream.indirect.scatter.add.f32 [tilespmem:s18], [sflag:$0x3], $0x80, s10, s17, $0xb8;
	[tilespmem:$0x1D400] =	vst v63  }
0xad: {  	_ =	swait.ge [sflag:s15], $0x4000  }
0xae: {  	[sflag:s15] =	ssyncset.done $0x0  }
0xaf: {  	s10 =	rddreg [dreg:$0x15];
	[sflag:s15] =	ssyncadd.s32 $0xFFFFC000  }
0xb0: {  	[tilespmem:s18], [sflag:$0x2] =	stream.indirect.gather [hbm4b:s4+s17], $0x80, s10, s17, $0xb8;
	[tilespmem:$0x1D400] =	vst v63  }
0xb1: {  	_ =	swait.ge [sflag:s19], $0x4000  }
0xb2: {  	[sflag:s19] =	ssyncset.done $0x0  }
0xb3: {  	s10 =	rddreg [dreg:$0x16];
	[sflag:s19] =	ssyncadd.s32 $0xFFFFC000  }
0xb4: {  	[spmem:s2] =	stream.indirect.scatter.add.f32 [tilespmem:s14], [sflag:$0x3], $0x80, s10, s17, $0xb8;
	[tilespmem:$0x1D400] =	vst v63  }
0xb5: {  	_ =	swait.ge [sflag:s15], $0x4000  }
0xb6: {  	[sflag:s15] =	ssyncset.done $0x0  }
0xb7: {  	s10 =	rddreg [dreg:$0x17];
	[sflag:s15] =	ssyncadd.s32 $0xFFFFC000  }
0xb8: {  	[tilespmem:s14], [sflag:$0x1] =	stream.indirect.gather [hbm4b:s4+s17], $0x80, s10, s17, $0xb8;
	[tilespmem:$0x1D400] =	vst v63  }
0xb9: {  	_ =	swait.ge [sflag:s20], $0x4000  }
0xba: {  	[sflag:s20] =	ssyncset.done $0x0  }
0xbb: {  	s10 =	rddreg [dreg:$0x18];
	[sflag:s20] =	ssyncadd.s32 $0xFFFFC000  }
0xbc: {  	[spmem:s2] =	stream.indirect.scatter.add.f32 [tilespmem:s18], [sflag:$0x3], $0x80, s10, s17, $0xb8;
	[tilespmem:$0x1D400] =	vst v63  }
0xbd: {  	_ =	swait.ge [sflag:s15], $0x4000  }
0xbe: {  	[sflag:s15] =	ssyncset.done $0x0  }
0xbf: {  	[sflag:s15] =	ssyncadd.s32 $0xFFFFC000  }
0xc0: {  	[tilespmem:s18], [sflag:$0x2] =	stream.indirect.gather [hbm4b:s4+s17], $0x80, s21, s17, $0xb8;
	[tilespmem:$0x1D400] =	vst v63  }
0xc1: {  	_ =	swait.ge [sflag:s19], $0x4000  }
0xc2: {  	[sflag:s19] =	ssyncset.done $0x0  }
0xc3: {  	[sflag:s19] =	ssyncadd.s32 $0xFFFFC000  }
0xc4: {  	[spmem:s2] =	stream.indirect.scatter.add.f32 [tilespmem:s14], [sflag:$0x3], $0x80, s22, s17, $0xb8;
	[tilespmem:$0x1D400] =	vst v63  }
0xc5: {  	_ =	swait.ge [sflag:s15], $0x4000  }
0xc6: {  	[sflag:s15] =	ssyncset.done $0x0  }
0xc7: {  	[sflag:s15] =	ssyncadd.s32 $0xFFFFC000  }
0xc8: {  	[tilespmem:s14], [sflag:$0x1] =	stream.indirect.gather [hbm4b:s4+s17], $0x80, s23, s17, $0xb8;
	[tilespmem:$0x1D400] =	vst v63  }
0xc9: {  	_ =	swait.ge [sflag:s20], $0x4000  }
0xca: {  	[sflag:s20] =	ssyncset.done $0x0  }
0xcb: {  	[sflag:s20] =	ssyncadd.s32 $0xFFFFC000  }
0xcc: {  	[spmem:s2] =	stream.indirect.scatter.add.f32 [tilespmem:s18], [sflag:$0x3], $0x80, s24, s17, $0xb8;
	[tilespmem:$0x1D400] =	vst v63  }
0xcd: {  	_ =	swait.ge [sflag:s15], $0x4000  }
0xce: {  	[sflag:s15] =	ssyncset.done $0x0  }
0xcf: {  	[sflag:s15] =	ssyncadd.s32 $0xFFFFC000  }
0xd0: {  	[tilespmem:s18], [sflag:$0x2] =	stream.indirect.gather [hbm4b:s4+s17], $0x80, s25, s17, $0xb8;
	[tilespmem:$0x1D400] =	vst v63  }
0xd1: {  	_ =	swait.ge [sflag:s19], $0x4000  }
0xd2: {  	[sflag:s19] =	ssyncset.done $0x0  }
0xd3: {  	[sflag:s19] =	ssyncadd.s32 $0xFFFFC000  }
0xd4: {  	[spmem:s2] =	stream.indirect.scatter.add.f32 [tilespmem:s14], [sflag:$0x3], $0x80, s26, s17, $0xb8;
	[tilespmem:$0x1D400] =	vst v63  }
0xd5: {  	_ =	swait.ge [sflag:s15], $0x4000  }
0xd6: {  	[sflag:s15] =	ssyncset.done $0x0  }
0xd7: {  	[sflag:s15] =	ssyncadd.s32 $0xFFFFC000  }
0xd8: {  	[tilespmem:s14], [sflag:$0x1] =	stream.indirect.gather [hbm4b:s4+s17], $0x80, s28, s17, $0xb8;
	[tilespmem:$0x1D400] =	vst v63  }
0xd9: {  	_ =	swait.ge [sflag:s20], $0x4000  }
0xda: {  	[sflag:s20] =	ssyncset.done $0x0  }
0xdb: {  	[sflag:s20] =	ssyncadd.s32 $0xFFFFC000  }
0xdc: {  	[spmem:s2] =	stream.indirect.scatter.add.f32 [tilespmem:s18], [sflag:$0x3], $0x80, s29, s17, $0xb8;
	[tilespmem:$0x1D400] =	vst v63  }
0xdd: {  	_ =	swait.ge [sflag:s15], $0x4000  }
0xde: {  	[sflag:s15] =	ssyncset.done $0x0  }
0xdf: {  	[sflag:s15] =	ssyncadd.s32 $0xFFFFC000  }
0xe0: {  	[tilespmem:s18], [sflag:$0x2] =	stream.indirect.gather [hbm4b:s4+s17], $0x80, s30, s17, $0xb8;
	[tilespmem:$0x1D400] =	vst v63  }
0xe1: {  	_ =	swait.ge [sflag:s19], $0x4000  }
0xe2: {  	[sflag:s19] =	ssyncset.done $0x0  }
0xe3: {  	[sflag:s19] =	ssyncadd.s32 $0xFFFFC000  }
0xe4: {  	[spmem:s2] =	stream.indirect.scatter.add.f32 [tilespmem:s14], [sflag:$0x3], $0x80, s31, s17, $0xb8;
	[tilespmem:$0x1D400] =	vst v63  }
0xe5: {  	_ =	swait.ge [sflag:s15], $0x4000  }
0xe6: {  	[sflag:s15] =	ssyncset.done $0x0  }
0xe7: {  	[sflag:s15] =	ssyncadd.s32 $0xFFFFC000  }
0xe8: {  	[tilespmem:s14], [sflag:$0x1] =	stream.indirect.gather [hbm4b:s4+s17], $0x80, s1, s17, $0xb8;
	[tilespmem:$0x1D400] =	vst v63  }
0xe9: {  	_ =	swait.ge [sflag:s20], $0x4000  }
0xea: {  	[sflag:s20] =	ssyncset.done $0x0  }
0xeb: {  	[sflag:s20] =	ssyncadd.s32 $0xFFFFC000  }
0xec: {  	[spmem:s2] =	stream.indirect.scatter.add.f32 [tilespmem:s18], [sflag:$0x3], $0x80, s0, s17, $0xb8;
	[tilespmem:$0x1D400] =	vst v63  }
0xed: {  	_ =	swait.ge [sflag:s15], $0x4000  }
0xee: {  	[sflag:s15] =	ssyncset.done $0x0  }
0xef: {  	[sflag:s15] =	ssyncadd.s32 $0xFFFFC000  }
0xf0: {  	[tilespmem:s18], [sflag:$0x2] =	stream.indirect.gather [hbm4b:s4+s17], $0x80, s7, s17, $0xb8;
	[tilespmem:$0x1D400] =	vst v63  }
0xf1: {  	_ =	swait.ge [sflag:s19], $0x4000  }
0xf2: {  	[sflag:s19] =	ssyncset.done $0x0  }
0xf3: {  	[sflag:s19] =	ssyncadd.s32 $0xFFFFC000  }
0xf4: {  	[spmem:s2] =	stream.indirect.scatter.add.f32 [tilespmem:s14], [sflag:$0x3], $0x80, s8, s17, $0xb8;
	[tilespmem:$0x1D400] =	vst v63  }
0xf5: {  	_ =	swait.ge [sflag:s15], $0x4000  }
0xf6: {  	[sflag:s15] =	ssyncset.done $0x0  }
0xf7: {  	s11 =	sadd.s32 $0x1, s11;
	[sflag:s15] =	ssyncadd.s32 $0xFFFFC000  }
0xf8: {  	p1 =	slt.s32 s11, s5;
	_ =	swait.ge [sflag:s20], $0x4000  }
.Ltmp4:
0xf9: {  	[sflag:s20] =	ssyncset.done $0x0;
	(pc) =	sbr.rel @!p1 .LBB2_6-.Ltmp4, $4  }
0xfa: {  	[sflag:s20] =	ssyncadd.s32 $0xFFFFC000  }
0xfb: {  	[spmem:s2] =	stream.indirect.scatter.add.f32 [tilespmem:s18], [sflag:$0x3], $0x80, s9, s17, $0xb8;
	[tilespmem:$0x1D400] =	vst v63  }
0xfc: {  	_ =	swait.ge [sflag:s15], $0x4000  }
0xfd: {  	[sflag:s15] =	ssyncset.done $0x0  }
.LBB2_5:
0xfe: {  	[sflag:s15] =	ssyncadd.s32 $0xFFFFC000;
	s13 =	sadd.s32 $0x140, s13  }
0xff: {  	[tilespmem:s3], [sflag:$0x3] =	stream.linear.gather [hbm4b:s13+s3], $0xA00, $0x38;
	[tilespmem:$0x1D400] =	vst v63  }
0x100: {  	_ =	swait.ge [sflag:s15], $0xA00  }
0x101: {  	[sflag:s15] =	ssyncset.done $0x0  }
0x102: {  	s6 =	sadd.s32 $0x9C40, s13;
	[sflag:s15] =	ssyncadd.s32 $0xFFFFF600  }
0x103: {  	[tilespmem:s16], [sflag:$0x3] =	stream.linear.gather [hbm4b:s6+s3], $0xA00, $0x38;
	[tilespmem:$0x1D400] =	vst v63  }
0x104: {  	_ =	swait.ge [sflag:s15], $0xA00  }
0x105: {  	[sflag:s15] =	ssyncset.done $0x0  }
0x106: {  	[sflag:s15] =	ssyncadd.s32 $0xFFFFF600  }
0x107: {  	[tilespmem:s14], [sflag:$0x1] =	stream.indirect.gather [hbm4b:s4+s17], $0x80, s3, s17, $0xb8;
	[tilespmem:$0x1D400] =	vst v63  }
0x108: {  	_ = 	snop  }
0x109: {  	[tilespmem:s18], [sflag:$0x2] =	stream.indirect.gather [hbm4b:s4+s17], $0x80, s17, s17, $0xb8;
	[tilespmem:$0x1D400] =	vst v63  }
0x10a: {  	_ =	swait.ge [sflag:s19], $0x4000  }
0x10b: {  	[sflag:s19] =	ssyncset.done $0x0  }
0x10c: {  	[sflag:s19] =	ssyncadd.s32 $0xFFFFC000  }
0x10d: {  	[spmem:s2] =	stream.indirect.scatter.add.f32 [tilespmem:s14], [sflag:$0x3], $0x80, s16, s17, $0xb8;
	[tilespmem:$0x1D400] =	vst v63  }
0x10e: {  	_ =	swait.ge [sflag:s15], $0x4000  }
0x10f: {  	[sflag:s15] =	ssyncset.done $0x0  }
0x110: {  	s10 =	rddreg [dreg:$0x3];
	[sflag:s15] =	ssyncadd.s32 $0xFFFFC000  }
0x111: {  	[tilespmem:s14], [sflag:$0x1] =	stream.indirect.gather [hbm4b:s4+s17], $0x80, s10, s17, $0xb8;
	[tilespmem:$0x1D400] =	vst v63  }
0x112: {  	_ =	swait.ge [sflag:s20], $0x4000  }
0x113: {  	[sflag:s20] =	ssyncset.done $0x0  }
0x114: {  	s10 =	rddreg [dreg:$0x4];
	[sflag:s20] =	ssyncadd.s32 $0xFFFFC000  }
0x115: {  	[spmem:s2] =	stream.indirect.scatter.add.f32 [tilespmem:s18], [sflag:$0x3], $0x80, s10, s17, $0xb8;
	[tilespmem:$0x1D400] =	vst v63  }
0x116: {  	_ =	swait.ge [sflag:s15], $0x4000  }
0x117: {  	[sflag:s15] =	ssyncset.done $0x0  }
0x118: {  	s10 =	rddreg [dreg:$0x5];
	[sflag:s15] =	ssyncadd.s32 $0xFFFFC000  }
0x119: {  	[tilespmem:s18], [sflag:$0x2] =	stream.indirect.gather [hbm4b:s4+s17], $0x80, s10, s17, $0xb8;
	[tilespmem:$0x1D400] =	vst v63  }
0x11a: {  	_ =	swait.ge [sflag:s19], $0x4000  }
0x11b: {  	[sflag:s19] =	ssyncset.done $0x0  }
0x11c: {  	s10 =	rddreg [dreg:$0x6];
	[sflag:s19] =	ssyncadd.s32 $0xFFFFC000  }
0x11d: {  	[spmem:s2] =	stream.indirect.scatter.add.f32 [tilespmem:s14], [sflag:$0x3], $0x80, s10, s17, $0xb8;
	[tilespmem:$0x1D400] =	vst v63  }
0x11e: {  	_ =	swait.ge [sflag:s15], $0x4000  }
0x11f: {  	[sflag:s15] =	ssyncset.done $0x0  }
0x120: {  	s10 =	rddreg [dreg:$0x7];
	[sflag:s15] =	ssyncadd.s32 $0xFFFFC000  }
0x121: {  	[tilespmem:s14], [sflag:$0x1] =	stream.indirect.gather [hbm4b:s4+s17], $0x80, s10, s17, $0xb8;
	[tilespmem:$0x1D400] =	vst v63  }
0x122: {  	_ =	swait.ge [sflag:s20], $0x4000  }
0x123: {  	[sflag:s20] =	ssyncset.done $0x0  }
0x124: {  	s10 =	rddreg [dreg:$0x8];
	[sflag:s20] =	ssyncadd.s32 $0xFFFFC000  }
0x125: {  	[spmem:s2] =	stream.indirect.scatter.add.f32 [tilespmem:s18], [sflag:$0x3], $0x80, s10, s17, $0xb8;
	[tilespmem:$0x1D400] =	vst v63  }
0x126: {  	_ =	swait.ge [sflag:s15], $0x4000  }
0x127: {  	[sflag:s15] =	ssyncset.done $0x0  }
0x128: {  	s10 =	rddreg [dreg:$0x9];
	[sflag:s15] =	ssyncadd.s32 $0xFFFFC000  }
0x129: {  	[tilespmem:s18], [sflag:$0x2] =	stream.indirect.gather [hbm4b:s4+s17], $0x80, s10, s17, $0xb8;
	[tilespmem:$0x1D400] =	vst v63  }
0x12a: {  	_ =	swait.ge [sflag:s19], $0x4000  }
0x12b: {  	[sflag:s19] =	ssyncset.done $0x0  }
0x12c: {  	s10 =	rddreg [dreg:$0xa];
	[sflag:s19] =	ssyncadd.s32 $0xFFFFC000  }
0x12d: {  	[spmem:s2] =	stream.indirect.scatter.add.f32 [tilespmem:s14], [sflag:$0x3], $0x80, s10, s17, $0xb8;
	[tilespmem:$0x1D400] =	vst v63  }
0x12e: {  	_ =	swait.ge [sflag:s15], $0x4000  }
0x12f: {  	[sflag:s15] =	ssyncset.done $0x0  }
0x130: {  	s10 =	rddreg [dreg:$0xb];
	[sflag:s15] =	ssyncadd.s32 $0xFFFFC000  }
0x131: {  	[tilespmem:s14], [sflag:$0x1] =	stream.indirect.gather [hbm4b:s4+s17], $0x80, s10, s17, $0xb8;
	[tilespmem:$0x1D400] =	vst v63  }
0x132: {  	_ =	swait.ge [sflag:s20], $0x4000  }
0x133: {  	[sflag:s20] =	ssyncset.done $0x0  }
0x134: {  	s10 =	rddreg [dreg:$0xc];
	[sflag:s20] =	ssyncadd.s32 $0xFFFFC000  }
0x135: {  	[spmem:s2] =	stream.indirect.scatter.add.f32 [tilespmem:s18], [sflag:$0x3], $0x80, s10, s17, $0xb8;
	[tilespmem:$0x1D400] =	vst v63  }
0x136: {  	_ =	swait.ge [sflag:s15], $0x4000  }
0x137: {  	[sflag:s15] =	ssyncset.done $0x0  }
0x138: {  	s10 =	rddreg [dreg:$0xd];
	[sflag:s15] =	ssyncadd.s32 $0xFFFFC000  }
0x139: {  	[tilespmem:s18], [sflag:$0x2] =	stream.indirect.gather [hbm4b:s4+s17], $0x80, s10, s17, $0xb8;
	[tilespmem:$0x1D400] =	vst v63  }
0x13a: {  	_ =	swait.ge [sflag:s19], $0x4000  }
0x13b: {  	[sflag:s19] =	ssyncset.done $0x0  }
0x13c: {  	s10 =	rddreg [dreg:$0xe];
	[sflag:s19] =	ssyncadd.s32 $0xFFFFC000  }
0x13d: {  	[spmem:s2] =	stream.indirect.scatter.add.f32 [tilespmem:s14], [sflag:$0x3], $0x80, s10, s17, $0xb8;
	[tilespmem:$0x1D400] =	vst v63  }
0x13e: {  	_ =	swait.ge [sflag:s15], $0x4000  }
0x13f: {  	[sflag:s15] =	ssyncset.done $0x0  }
0x140: {  	s10 =	rddreg [dreg:$0xf];
	[sflag:s15] =	ssyncadd.s32 $0xFFFFC000  }
0x141: {  	[tilespmem:s14], [sflag:$0x1] =	stream.indirect.gather [hbm4b:s4+s17], $0x80, s10, s17, $0xb8;
	[tilespmem:$0x1D400] =	vst v63  }
0x142: {  	_ =	swait.ge [sflag:s20], $0x4000  }
0x143: {  	[sflag:s20] =	ssyncset.done $0x0  }
0x144: {  	s10 =	rddreg [dreg:$0x10];
	[sflag:s20] =	ssyncadd.s32 $0xFFFFC000  }
0x145: {  	[spmem:s2] =	stream.indirect.scatter.add.f32 [tilespmem:s18], [sflag:$0x3], $0x80, s10, s17, $0xb8;
	[tilespmem:$0x1D400] =	vst v63  }
0x146: {  	_ =	swait.ge [sflag:s15], $0x4000  }
0x147: {  	[sflag:s15] =	ssyncset.done $0x0  }
0x148: {  	s10 =	rddreg [dreg:$0x11];
	[sflag:s15] =	ssyncadd.s32 $0xFFFFC000  }
0x149: {  	[tilespmem:s18], [sflag:$0x2] =	stream.indirect.gather [hbm4b:s4+s17], $0x80, s10, s17, $0xb8;
	[tilespmem:$0x1D400] =	vst v63  }
0x14a: {  	_ =	swait.ge [sflag:s19], $0x4000  }
0x14b: {  	[sflag:s19] =	ssyncset.done $0x0  }
0x14c: {  	s10 =	rddreg [dreg:$0x12];
	[sflag:s19] =	ssyncadd.s32 $0xFFFFC000  }
0x14d: {  	[spmem:s2] =	stream.indirect.scatter.add.f32 [tilespmem:s14], [sflag:$0x3], $0x80, s10, s17, $0xb8;
	[tilespmem:$0x1D400] =	vst v63  }
0x14e: {  	_ =	swait.ge [sflag:s15], $0x4000  }
0x14f: {  	[sflag:s15] =	ssyncset.done $0x0  }
0x150: {  	s10 =	rddreg [dreg:$0x13];
	[sflag:s15] =	ssyncadd.s32 $0xFFFFC000  }
0x151: {  	[tilespmem:s14], [sflag:$0x1] =	stream.indirect.gather [hbm4b:s4+s17], $0x80, s10, s17, $0xb8;
	[tilespmem:$0x1D400] =	vst v63  }
0x152: {  	_ =	swait.ge [sflag:s20], $0x4000  }
0x153: {  	[sflag:s20] =	ssyncset.done $0x0  }
0x154: {  	s10 =	rddreg [dreg:$0x14];
	[sflag:s20] =	ssyncadd.s32 $0xFFFFC000  }
0x155: {  	[spmem:s2] =	stream.indirect.scatter.add.f32 [tilespmem:s18], [sflag:$0x3], $0x80, s10, s17, $0xb8;
	[tilespmem:$0x1D400] =	vst v63  }
0x156: {  	_ =	swait.ge [sflag:s15], $0x4000  }
0x157: {  	[sflag:s15] =	ssyncset.done $0x0  }
0x158: {  	s10 =	rddreg [dreg:$0x15];
	[sflag:s15] =	ssyncadd.s32 $0xFFFFC000  }
0x159: {  	[tilespmem:s18], [sflag:$0x2] =	stream.indirect.gather [hbm4b:s4+s17], $0x80, s10, s17, $0xb8;
	[tilespmem:$0x1D400] =	vst v63  }
0x15a: {  	_ =	swait.ge [sflag:s19], $0x4000  }
0x15b: {  	[sflag:s19] =	ssyncset.done $0x0  }
0x15c: {  	s10 =	rddreg [dreg:$0x16];
	[sflag:s19] =	ssyncadd.s32 $0xFFFFC000  }
0x15d: {  	[spmem:s2] =	stream.indirect.scatter.add.f32 [tilespmem:s14], [sflag:$0x3], $0x80, s10, s17, $0xb8;
	[tilespmem:$0x1D400] =	vst v63  }
0x15e: {  	_ =	swait.ge [sflag:s15], $0x4000  }
0x15f: {  	[sflag:s15] =	ssyncset.done $0x0  }
0x160: {  	s10 =	rddreg [dreg:$0x17];
	[sflag:s15] =	ssyncadd.s32 $0xFFFFC000  }
0x161: {  	[tilespmem:s14], [sflag:$0x1] =	stream.indirect.gather [hbm4b:s4+s17], $0x80, s10, s17, $0xb8;
	[tilespmem:$0x1D400] =	vst v63  }
0x162: {  	_ =	swait.ge [sflag:s20], $0x4000  }
0x163: {  	[sflag:s20] =	ssyncset.done $0x0  }
0x164: {  	s10 =	rddreg [dreg:$0x18];
	[sflag:s20] =	ssyncadd.s32 $0xFFFFC000  }
0x165: {  	[spmem:s2] =	stream.indirect.scatter.add.f32 [tilespmem:s18], [sflag:$0x3], $0x80, s10, s17, $0xb8;
	[tilespmem:$0x1D400] =	vst v63  }
0x166: {  	_ =	swait.ge [sflag:s15], $0x4000  }
0x167: {  	[sflag:s15] =	ssyncset.done $0x0  }
0x168: {  	[sflag:s15] =	ssyncadd.s32 $0xFFFFC000  }
0x169: {  	[tilespmem:s18], [sflag:$0x2] =	stream.indirect.gather [hbm4b:s4+s17], $0x80, s21, s17, $0xb8;
	[tilespmem:$0x1D400] =	vst v63  }
0x16a: {  	_ =	swait.ge [sflag:s19], $0x4000  }
0x16b: {  	[sflag:s19] =	ssyncset.done $0x0  }
0x16c: {  	[sflag:s19] =	ssyncadd.s32 $0xFFFFC000  }
0x16d: {  	[spmem:s2] =	stream.indirect.scatter.add.f32 [tilespmem:s14], [sflag:$0x3], $0x80, s22, s17, $0xb8;
	[tilespmem:$0x1D400] =	vst v63  }
0x16e: {  	_ =	swait.ge [sflag:s15], $0x4000  }
0x16f: {  	[sflag:s15] =	ssyncset.done $0x0  }
0x170: {  	[sflag:s15] =	ssyncadd.s32 $0xFFFFC000  }
0x171: {  	[tilespmem:s14], [sflag:$0x1] =	stream.indirect.gather [hbm4b:s4+s17], $0x80, s23, s17, $0xb8;
	[tilespmem:$0x1D400] =	vst v63  }
0x172: {  	_ =	swait.ge [sflag:s20], $0x4000  }
0x173: {  	[sflag:s20] =	ssyncset.done $0x0  }
0x174: {  	[sflag:s20] =	ssyncadd.s32 $0xFFFFC000  }
0x175: {  	[spmem:s2] =	stream.indirect.scatter.add.f32 [tilespmem:s18], [sflag:$0x3], $0x80, s24, s17, $0xb8;
	[tilespmem:$0x1D400] =	vst v63  }
0x176: {  	_ =	swait.ge [sflag:s15], $0x4000  }
0x177: {  	[sflag:s15] =	ssyncset.done $0x0  }
0x178: {  	[sflag:s15] =	ssyncadd.s32 $0xFFFFC000  }
0x179: {  	[tilespmem:s18], [sflag:$0x2] =	stream.indirect.gather [hbm4b:s4+s17], $0x80, s25, s17, $0xb8;
	[tilespmem:$0x1D400] =	vst v63  }
0x17a: {  	_ =	swait.ge [sflag:s19], $0x4000  }
0x17b: {  	[sflag:s19] =	ssyncset.done $0x0  }
0x17c: {  	[sflag:s19] =	ssyncadd.s32 $0xFFFFC000  }
0x17d: {  	[spmem:s2] =	stream.indirect.scatter.add.f32 [tilespmem:s14], [sflag:$0x3], $0x80, s26, s17, $0xb8;
	[tilespmem:$0x1D400] =	vst v63  }
0x17e: {  	_ =	swait.ge [sflag:s15], $0x4000  }
0x17f: {  	[sflag:s15] =	ssyncset.done $0x0  }
0x180: {  	[sflag:s15] =	ssyncadd.s32 $0xFFFFC000  }
0x181: {  	[tilespmem:s14], [sflag:$0x1] =	stream.indirect.gather [hbm4b:s4+s17], $0x80, s28, s17, $0xb8;
	[tilespmem:$0x1D400] =	vst v63  }
0x182: {  	_ =	swait.ge [sflag:s20], $0x4000  }
0x183: {  	[sflag:s20] =	ssyncset.done $0x0  }
0x184: {  	[sflag:s20] =	ssyncadd.s32 $0xFFFFC000  }
0x185: {  	[spmem:s2] =	stream.indirect.scatter.add.f32 [tilespmem:s18], [sflag:$0x3], $0x80, s29, s17, $0xb8;
	[tilespmem:$0x1D400] =	vst v63  }
0x186: {  	_ =	swait.ge [sflag:s15], $0x4000  }
0x187: {  	[sflag:s15] =	ssyncset.done $0x0  }
0x188: {  	[sflag:s15] =	ssyncadd.s32 $0xFFFFC000  }
0x189: {  	[tilespmem:s18], [sflag:$0x2] =	stream.indirect.gather [hbm4b:s4+s17], $0x80, s30, s17, $0xb8;
	[tilespmem:$0x1D400] =	vst v63  }
0x18a: {  	_ =	swait.ge [sflag:s19], $0x4000  }
0x18b: {  	[sflag:s19] =	ssyncset.done $0x0  }
0x18c: {  	[sflag:s19] =	ssyncadd.s32 $0xFFFFC000  }
0x18d: {  	[spmem:s2] =	stream.indirect.scatter.add.f32 [tilespmem:s14], [sflag:$0x3], $0x80, s31, s17, $0xb8;
	[tilespmem:$0x1D400] =	vst v63  }
0x18e: {  	_ =	swait.ge [sflag:s15], $0x4000  }
0x18f: {  	[sflag:s15] =	ssyncset.done $0x0  }
0x190: {  	[sflag:s15] =	ssyncadd.s32 $0xFFFFC000  }
0x191: {  	[tilespmem:s14], [sflag:$0x1] =	stream.indirect.gather [hbm4b:s4+s17], $0x80, s1, s17, $0xb8;
	[tilespmem:$0x1D400] =	vst v63  }
0x192: {  	_ =	swait.ge [sflag:s20], $0x4000  }
0x193: {  	[sflag:s20] =	ssyncset.done $0x0  }
0x194: {  	[sflag:s20] =	ssyncadd.s32 $0xFFFFC000  }
0x195: {  	[spmem:s2] =	stream.indirect.scatter.add.f32 [tilespmem:s18], [sflag:$0x3], $0x80, s0, s17, $0xb8;
	[tilespmem:$0x1D400] =	vst v63  }
0x196: {  	_ =	swait.ge [sflag:s15], $0x4000  }
0x197: {  	[sflag:s15] =	ssyncset.done $0x0  }
0x198: {  	[sflag:s15] =	ssyncadd.s32 $0xFFFFC000  }
0x199: {  	[tilespmem:s18], [sflag:$0x2] =	stream.indirect.gather [hbm4b:s4+s17], $0x80, s7, s17, $0xb8;
	[tilespmem:$0x1D400] =	vst v63  }
0x19a: {  	_ =	swait.ge [sflag:s19], $0x4000  }
0x19b: {  	[sflag:s19] =	ssyncset.done $0x0  }
0x19c: {  	[sflag:s19] =	ssyncadd.s32 $0xFFFFC000  }
0x19d: {  	[spmem:s2] =	stream.indirect.scatter.add.f32 [tilespmem:s14], [sflag:$0x3], $0x80, s8, s17, $0xb8;
	[tilespmem:$0x1D400] =	vst v63  }
0x19e: {  	_ =	swait.ge [sflag:s15], $0x4000  }
0x19f: {  	[sflag:s15] =	ssyncset.done $0x0  }
0x1a0: {  	s11 =	sadd.s32 $0x1, s11;
	[sflag:s15] =	ssyncadd.s32 $0xFFFFC000  }
0x1a1: {  	p1 =	slt.s32 s11, s5;
	_ =	swait.ge [sflag:s20], $0x4000  }
.Ltmp5:
0x1a2: {  	[sflag:s20] =	ssyncset.done $0x0;
	(pc) =	sbr.rel @p1 .LBB2_5-.Ltmp5, $4  }
0x1a3: {  	[sflag:s20] =	ssyncadd.s32 $0xFFFFC000  }
0x1a4: {  	[spmem:s2] =	stream.indirect.scatter.add.f32 [tilespmem:s18], [sflag:$0x3], $0x80, s9, s17, $0xb8;
	[tilespmem:$0x1D400] =	vst v63  }
0x1a5: {  	_ =	swait.ge [sflag:s15], $0x4000  }
0x1a6: {  	[sflag:s15] =	ssyncset.done $0x0  }
.Ltmp6:
0x1a7: {  	_ = 	snop;
	(pc) =	sbr.rel .LBB2_6-.Ltmp6, $1  }
0x1a8: {  	_ =	sdelay $0x3  }
.LBB2_8:
0x1a9: {  	_ =	sfence.sel $0x180000  }
0x1aa: {  	[bflag:$0x0] =	sbarrier.arrive $0xFFFF  }
0x1ab: {  	_ =	strace $0x9000004A  }
0x1ac: {  	s0 =	stileid.u32;
	[bflag:$0x2] =	sbarrier.arrive $0xFFFF  }
0x1ad: {  	p0 =	sne.s32 s0, $0x0;
	s0 =	rddreg [dreg:$0x2]  }
0x1ae: {  	s0 =	sadd.s32 @!p0 $0x100000, s0  }
0x1af: {  	[sflag:s0] =	ssyncadd.tile.s32 @!p0 $0x1;
	_ =	shalt  }
.Lfunc_end2:
_tile_overlayer_lowered:
.L_overlay_start_2:
0x1b0: {  	(tag) =	ssettag $0x2  }
0x1b1: {  	s0 =	rddreg [dreg:$0x0];
	s2 =	stileid.u32  }
0x1b2: {  	s1 =	rddreg [dreg:$0x1];
	p0 =	sne.s32 s2, $0x0  }
0x1b3: {  	s3 =	rddreg [dreg:$0x2];
	[bflag:$0x3] =	sbarrier.arrive $0xFFFF;
	s2 =	simm.s32 @!p0 $0x1C03  }
0x1b4: {  	[timem:s3], [sflag:s2] =	dma.local @!p0 [hbm:s0], s1  }
0x1b5: {  	s0 =	simm.s32 @!p0 $0x3  }
0x1b6: {  	_ =	swait.ge @!p0 [sflag:s0], s1  }
0x1b7: {  	s1 =	ssub.s32 @!p0 $0x0, s1;
	[sflag:s0] =	ssyncset.done @!p0 $0x0  }
0x1b8: {  	[sflag:s0] =	ssyncadd.s32 @!p0 s1  }
0x1b9: {  	[bflag:$0x3] =	sbarrier.arrive $0xFFFF  }
0x1ba: {  	_ =	shalt  }

</sc_bundles>
